<compile_context>
chip_gen: v7x
topology: tpu7x:2x2x1
jax: 0.10.2.dev20260603
libtpu: 0.0.44.dev20260713+nightly
codegen_flags: <defaults>
</compile_context>

<pallas_src>
import functools

import jax
import jax.numpy as jnp
from jax import lax
from jax.experimental import pallas as pl
from jax.experimental.pallas import tpu as pltpu
from jax.experimental.pallas import tpu_sc as plsc

_N = 10000
_M = 128
_MH = 64
_MY = 10
_GAMMA = 0.8
_ITERS = 30
_EPS_F = 1e-6

_NC, _NS = 2, 16
_CHUNK = 125
_NP = 10240
_ROWS_PER_TILE = _NP // _NS

_mesh = plsc.VectorSubcoreMesh(core_axis_name="c", subcore_axis_name="s")


def _sc_segment_sum(zs2, zeros, rx3, c3):
    n_chunks = c3.shape[1]
    nq = n_chunks // 4
    assert n_chunks % 4 == 0 and rx3.shape == (_NC, _NS, n_chunks, _CHUNK)

    @functools.partial(
        pl.kernel,
        out_type=jax.ShapeDtypeStruct((_NC, _NP, _MH), jnp.float32),
        mesh=_mesh,
        scratch_types=[
            pltpu.VMEM((n_chunks, _CHUNK), jnp.int32),
            pltpu.VMEM((n_chunks, _CHUNK), jnp.int32),
            [pltpu.VMEM((_CHUNK, _MH), jnp.float32)] * 4,
            pltpu.VMEM_SHARED((_NP, _MH), jnp.float32),
            [pltpu.SemaphoreType.DMA] * 4,
            [pltpu.SemaphoreType.DMA] * 4,
        ],
        compiler_params=pltpu.CompilerParams(use_tc_tiling_on_sc=False),
    )
    def run(zs_hbm, zeros_hbm, rx3_hbm, c3_hbm, out_hbm,
            ribuf, cibuf, rows, acc_sh, gsem, ssem):
        cid = lax.axis_index("c")
        sid = lax.axis_index("s")

        my_rows = pl.ds(sid * _ROWS_PER_TILE, _ROWS_PER_TILE)
        pltpu.sync_copy(rx3_hbm.at[cid, sid], ribuf)
        pltpu.sync_copy(c3_hbm.at[sid], cibuf)
        pltpu.sync_copy(zeros_hbm, acc_sh.at[my_rows])
        plsc.subcore_barrier()

        def fire(g, b):
            pltpu.async_copy(zs_hbm.at[ribuf.at[g]], rows[b], gsem[b])

        def gwait(b):
            pltpu.make_async_copy(zs_hbm.at[ribuf.at[0]], rows[b],
                                  gsem[b]).wait()

        def scat(g, b):
            pltpu.async_copy(rows[b], acc_sh.at[cibuf.at[g]], ssem[b],
                             add=True)

        def scwait(b):
            pltpu.make_async_copy(zs_hbm.at[ribuf.at[0]], rows[b],
                                  ssem[b]).wait()

        for b in range(4):
            fire(b, b)
        for b in range(4):
            gwait(b)
            scat(b, b)

        def body(p, carry):
            q = 4 * p
            for b in range(4):
                scwait(b)
                fire(q + b, b)
            for b in range(4):
                gwait(b)
                scat(q + b, b)
            return carry

        lax.fori_loop(1, nq, body, 0)
        for b in range(4):
            scwait(b)

        plsc.subcore_barrier()
        pltpu.sync_copy(acc_sh.at[my_rows], out_hbm.at[cid, my_rows])

    return run(zs2, zeros, rx3, c3)


def _sc_degree(ones, zeros, r3, c3):
    n_chunks = r3.shape[1]

    @functools.partial(
        pl.kernel,
        out_type=jax.ShapeDtypeStruct((_NC, _NP, _MH), jnp.float32),
        mesh=_mesh,
        scratch_types=[
            pltpu.VMEM((n_chunks, _CHUNK), jnp.int32),
            pltpu.VMEM((n_chunks, _CHUNK), jnp.int32),
            pltpu.VMEM((_CHUNK, _MH), jnp.float32),
            pltpu.VMEM_SHARED((_NP, _MH), jnp.float32),
        ],
        compiler_params=pltpu.CompilerParams(use_tc_tiling_on_sc=False),
    )
    def run(ones_hbm, zeros_hbm, r3_hbm, c3_hbm, out_hbm,
            ribuf, cibuf, ones_v, acc_sh):
        cid = lax.axis_index("c")
        sid = lax.axis_index("s")

        my_rows = pl.ds(sid * _ROWS_PER_TILE, _ROWS_PER_TILE)
        pltpu.sync_copy(r3_hbm.at[sid], ribuf)
        pltpu.sync_copy(c3_hbm.at[sid], cibuf)
        pltpu.sync_copy(zeros_hbm, acc_sh.at[my_rows])
        pltpu.sync_copy(ones_hbm, ones_v)
        plsc.subcore_barrier()

        def step(g, carry):
            pltpu.sync_copy(ones_v, acc_sh.at[ribuf.at[g]], add=True)
            pltpu.sync_copy(ones_v, acc_sh.at[cibuf.at[g]], add=True)
            return carry

        lax.fori_loop(0, n_chunks, step, 0)
        plsc.subcore_barrier()
        pltpu.sync_copy(acc_sh.at[my_rows], out_hbm.at[cid, my_rows])

    return run(ones, zeros, r3, c3)


_BR = 1024


def _tc_prep(pdeg, xt):

    def body(p_ref, xt_ref, d2_ref, xd_ref):
        deg = p_ref[0][:, 0:1]
        d = lax.rsqrt(jnp.maximum(deg, 1.0))
        d2_ref[...] = d * d
        xd_ref[...] = xt_ref[...] * d

    return pl.pallas_call(
        body,
        grid=(_NP // _BR,),
        in_specs=[
            pl.BlockSpec((_NC, _BR, _MH), lambda i: (0, i, 0)),
            pl.BlockSpec((_BR, _M), lambda i: (i, 0)),
        ],
        out_specs=[
            pl.BlockSpec((_BR, 1), lambda i: (i, 0)),
            pl.BlockSpec((_BR, _M), lambda i: (i, 0)),
        ],
        out_shape=[
            jax.ShapeDtypeStruct((_NP, 1), jnp.float32),
            jax.ShapeDtypeStruct((_NP, _M), jnp.float32),
        ],
    )(pdeg, xt)


def _tc_gmat(f):

    def body(f_ref, g_ref):
        fm = f_ref[...]
        ff = lax.dot_general(fm, fm, (((0,), (0,)), ((), ())),
                             preferred_element_type=jnp.float32)
        nrm = jnp.sqrt(jnp.sum(ff * ff))
        g_ref[...] = (_GAMMA / (nrm + _EPS_F)) * ff

    return pl.pallas_call(
        body,
        out_shape=jax.ShapeDtypeStruct((_M, _M), jnp.float32),
    )(f)


def _tc_update(halves, d2, xd, gg):

    def body(p_ref, d2_ref, xd_ref, gg_ref, o_ref):
        acc = jnp.concatenate([p_ref[0], p_ref[1]], axis=1)
        y = acc * d2_ref[...]
        o_ref[...] = (
            jnp.dot(y, gg_ref[...], preferred_element_type=jnp.float32)
            + xd_ref[...]
        )

    return pl.pallas_call(
        body,
        grid=(_NP // _BR,),
        in_specs=[
            pl.BlockSpec((_NC, _BR, _MH), lambda i: (0, i, 0)),
            pl.BlockSpec((_BR, 1), lambda i: (i, 0)),
            pl.BlockSpec((_BR, _M), lambda i: (i, 0)),
            pl.BlockSpec((_M, _M), lambda i: (0, 0)),
        ],
        out_specs=pl.BlockSpec((_BR, _M), lambda i: (i, 0)),
        out_shape=jax.ShapeDtypeStruct((_NP, _M), jnp.float32),
    )(halves, d2, xd, gg)


def _tc_head(zs, bp):

    def body(z_ref, b_ref, o_ref):
        z = z_ref[...]
        nrm = jnp.maximum(jnp.sqrt(jnp.sum(z * z, axis=1, keepdims=True)), 1e-12)
        o_ref[...] = jnp.dot(z / nrm, b_ref[...],
                             preferred_element_type=jnp.float32)

    return pl.pallas_call(
        body,
        grid=(_NP // _BR,),
        in_specs=[
            pl.BlockSpec((_BR, _M), lambda i: (i, 0)),
            pl.BlockSpec((_M, _M), lambda i: (0, 0)),
        ],
        out_specs=pl.BlockSpec((_BR, _M), lambda i: (i, 0)),
        out_shape=jax.ShapeDtypeStruct((_NP, _M), jnp.float32),
    )(zs, bp)


@jax.jit
def _run(X, edge_index, F_param, B_W):
    e = edge_index.shape[1]
    n_chunks = e // (_NS * _CHUNK)
    r3 = edge_index[0].astype(jnp.int32).reshape(_NS, n_chunks, _CHUNK)
    c3 = edge_index[1].astype(jnp.int32).reshape(_NS, n_chunks, _CHUNK)
    rx3 = jnp.stack([2 * r3, 2 * r3 + 1])
    xt = jnp.pad(X.T.astype(jnp.float32), ((0, _NP - _N), (0, 0)))
    zeros = jnp.zeros((_ROWS_PER_TILE, _MH), jnp.float32)
    ones = jnp.ones((_CHUNK, _MH), jnp.float32)
    bp = jnp.pad(B_W.T.astype(jnp.float32), ((0, 0), (0, _M - _MY)))

    pdeg = _sc_degree(ones, zeros, r3, c3)
    d2, xd = _tc_prep(pdeg, xt)
    gg = _tc_gmat(F_param.astype(jnp.float32))

    def it(zs, _):
        zs2 = zs.reshape(2 * _NP, _MH)
        h = _sc_segment_sum(zs2, zeros, rx3, c3)
        return _tc_update(h, d2, xd, gg), None

    zs, _ = lax.scan(it, xd, None, length=_ITERS)
    out = _tc_head(zs, bp)
    return out[:_N, :_MY]


def kernel(X, edge_index, F_param, B_W):
    return _run(X, edge_index, F_param, B_W)

# --- scband reference (transcript-rebuilt; emitter-appended) ---
"""Pipeline reference for scband-eignn-w-iterative-52733608461026 (READ-ONLY COPY).

The authoritative reference and input builder live on the scoring server;
editing this copy changes nothing except your own understanding.
"""

import jax, jax.numpy as jnp
import numpy as np

N = 10000
E = 320000
M = 128
M_Y = 10
GAMMA = 0.8
MAX_ITER = 30
EPS_F = 1e-6


def setup_inputs(seed: int = 0) -> dict:
    key = jax.random.key(seed)
    k1, k2, k3, k4 = jax.random.split(key, 4)
    # Forward arg: X is [m, n] (features x nodes), as in EIGNN.
    X = jax.random.normal(k1, (M, N), dtype=jnp.float32)
    # Structural constant: edge list defining the sparse normalized adjacency S (n x n).
    edge_index = jax.random.randint(k2, (2, E), 0, N).astype(jnp.int64)
    # Learned parameters: F (m x m) inside the implicit layer, B linear weight (m_y x m).
    F_param = jax.random.normal(k3, (M, M), dtype=jnp.float32) * (1.0 / np.sqrt(M))
    B_W = jax.random.normal(k4, (M_Y, M), dtype=jnp.float32) * (1.0 / np.sqrt(M))
    return {"X": X, "edge_index": edge_index, "F_param": F_param, "B_W": B_W}


def _spmm_right(Z, row, col, w, n):
    # Computes Z @ S where S[row, col] = w (sparse n x n), Z is [m, n].
    msgs = Z[:, row] * w[None, :]            # gather over src nodes, [m, E]
    out = jax.ops.segment_sum(msgs.T, col, num_segments=n)  # scatter-add to dst, [n, m]
    return out.T                              # [m, n]


def reference(X, edge_index, F_param, B_W):
    row = edge_index[0]
    col = edge_index[1]
    # Symmetric degree normalization S = D^{-1/2} A D^{-1/2}
    deg = jnp.bincount(jnp.concatenate([row, col]), length=N).astype(jnp.float32)
    deg = jnp.clip(deg, 1.0, None)
    w = (1.0 / jnp.sqrt(deg[row] * deg[col])).astype(X.dtype)
    # g(F) = F^T F / (||F^T F||_F + eps): contraction guaranteeing well-posed fixed point
    FF = F_param.T @ F_param
    G = (FF / (jnp.linalg.norm(FF) + EPS_F)).astype(X.dtype)

    def body(Z, _):
        Z_new = (GAMMA * (G @ _spmm_right(Z, row, col, w, N)) + X).astype(Z.dtype)
        return Z_new, None

    Z, _ = jax.lax.scan(body, X, None, length=MAX_ITER)
    out = Z.T  # [n, m]
    # F.normalize(out, dim=-1) with eps=1e-12
    norm = jnp.clip(jnp.linalg.norm(out, axis=-1, keepdims=True), 1e-12, None)
    out = out / norm
    # dropout(p=0.5) is identity in eval mode -> omitted
    out = out @ B_W.T  # Linear(m -> m_y, bias=False)
    return out

if __name__ == "__main__":
    import jax
    _d = setup_inputs()
    print(jax.jit(kernel)(*tuple(_d.values())))

</pallas_src>

<mosaic_0001>
#map = affine_map<(d0, d1) -> (0, 0)>
#map1 = affine_map<(d0, d1) -> (0, 0, 0)>
module attributes {stable_mosaic.version = 14 : i64} {
  func.func @run(%arg0: i32, %arg1: i32, %arg2: memref<125x64xf32, #tpu.memory_space<hbm>>, %arg3: memref<640x64xf32, #tpu.memory_space<hbm>>, %arg4: memref<16x160x125xi32, #tpu.memory_space<hbm>>, %arg5: memref<16x160x125xi32, #tpu.memory_space<hbm>>, %arg6: memref<2x10240x64xf32, #tpu.memory_space<hbm>>, %arg7: memref<160x125xi32, #tpu.memory_space<vmem>>, %arg8: memref<160x125xi32, #tpu.memory_space<vmem>>, %arg9: memref<125x64xf32, #tpu.memory_space<vmem>>, %arg10: memref<10240x64xf32, #tpu.memory_space<vmem_shared>>) attributes {dimension_semantics = [#tpu.dimension_semantics<core_parallel>, #tpu.dimension_semantics<subcore_parallel>], iteration_bounds = array<i64: 2, 16>, scalar_prefetch = 0 : i64, scratch_operands = 4 : i64, tpu.core_type = #tpu.core_type<sc_vector_subcore>, window_params = [{transform_indices = #map}, {transform_indices = #map}, {transform_indices = #map1}, {transform_indices = #map1}, {transform_indices = #map1}]} {
    %mul3A = arith.constant 640 : i32
    %mul3A_0 = arith.muli %arg1, %mul3A : i32
    "tpu.region"() ({
      %run_scoped3A = tpu.sem_alloc : memref<!tpu.dma_semaphore, #tpu.memory_space<semaphore_mem>>
      %dma_start3A = arith.constant 0 : i32
      %dma_start3A_7 = arith.constant 0 : i32
      %dma_start3A_8 = tpu.memref_slice %arg4[%arg1, %dma_start3A, %dma_start3A_7] : memref<16x160x125xi32, #tpu.memory_space<hbm>> -> memref<1x160x125xi32, #tpu.memory_space<hbm>>
      %dma_start3A_9 = tpu.memref_squeeze %dma_start3A_8 : memref<1x160x125xi32, #tpu.memory_space<hbm>> -> memref<160x125xi32, #tpu.memory_space<hbm>>
      %dma_start3A_10 = arith.constant 0 : i32
      %dma_start3A_11 = arith.constant 0 : i32
      %dma_start3A_12 = tpu.memref_slice %arg4[%arg1, %dma_start3A_10, %dma_start3A_11] : memref<16x160x125xi32, #tpu.memory_space<hbm>> -> memref<1x160x125xi32, #tpu.memory_space<hbm>>
      %dma_start3A_13 = tpu.memref_squeeze %dma_start3A_12 : memref<1x160x125xi32, #tpu.memory_space<hbm>> -> memref<160x125xi32, #tpu.memory_space<hbm>>
      tpu.enqueue_dma source(%dma_start3A_13 : memref<160x125xi32, #tpu.memory_space<hbm>>) target(%arg7 : memref<160x125xi32, #tpu.memory_space<vmem>>) target_semaphore(%run_scoped3A : memref<!tpu.dma_semaphore, #tpu.memory_space<semaphore_mem>>)
      %dma_wait3A = arith.constant 0 : i32
      %dma_wait3A_14 = arith.constant 0 : i32
      %dma_wait3A_15 = tpu.memref_slice %arg4[%arg1, %dma_wait3A, %dma_wait3A_14] : memref<16x160x125xi32, #tpu.memory_space<hbm>> -> memref<1x160x125xi32, #tpu.memory_space<hbm>>
      %dma_wait3A_16 = tpu.memref_squeeze %dma_wait3A_15 : memref<1x160x125xi32, #tpu.memory_space<hbm>> -> memref<160x125xi32, #tpu.memory_space<hbm>>
      %dma_wait3A_17 = arith.constant 0 : i32
      %dma_wait3A_18 = arith.constant 0 : i32
      %dma_wait3A_19 = tpu.memref_slice %arg4[%arg1, %dma_wait3A_17, %dma_wait3A_18] : memref<16x160x125xi32, #tpu.memory_space<hbm>> -> memref<1x160x125xi32, #tpu.memory_space<hbm>>
      %dma_wait3A_20 = tpu.memref_squeeze %dma_wait3A_19 : memref<1x160x125xi32, #tpu.memory_space<hbm>> -> memref<160x125xi32, #tpu.memory_space<hbm>>
      tpu.wait_dma2 semaphore(%run_scoped3A : memref<!tpu.dma_semaphore, #tpu.memory_space<semaphore_mem>>) src(%dma_wait3A_20 : memref<160x125xi32, #tpu.memory_space<hbm>>) dst(%arg7 : memref<160x125xi32, #tpu.memory_space<vmem>>)
      tpu.yield
    }) : () -> ()
    "tpu.region"() ({
      %run_scoped3A = tpu.sem_alloc : memref<!tpu.dma_semaphore, #tpu.memory_space<semaphore_mem>>
      %dma_start3A = arith.constant 0 : i32
      %dma_start3A_7 = arith.constant 0 : i32
      %dma_start3A_8 = tpu.memref_slice %arg5[%arg1, %dma_start3A, %dma_start3A_7] : memref<16x160x125xi32, #tpu.memory_space<hbm>> -> memref<1x160x125xi32, #tpu.memory_space<hbm>>
      %dma_start3A_9 = tpu.memref_squeeze %dma_start3A_8 : memref<1x160x125xi32, #tpu.memory_space<hbm>> -> memref<160x125xi32, #tpu.memory_space<hbm>>
      %dma_start3A_10 = arith.constant 0 : i32
      %dma_start3A_11 = arith.constant 0 : i32
      %dma_start3A_12 = tpu.memref_slice %arg5[%arg1, %dma_start3A_10, %dma_start3A_11] : memref<16x160x125xi32, #tpu.memory_space<hbm>> -> memref<1x160x125xi32, #tpu.memory_space<hbm>>
      %dma_start3A_13 = tpu.memref_squeeze %dma_start3A_12 : memref<1x160x125xi32, #tpu.memory_space<hbm>> -> memref<160x125xi32, #tpu.memory_space<hbm>>
      tpu.enqueue_dma source(%dma_start3A_13 : memref<160x125xi32, #tpu.memory_space<hbm>>) target(%arg8 : memref<160x125xi32, #tpu.memory_space<vmem>>) target_semaphore(%run_scoped3A : memref<!tpu.dma_semaphore, #tpu.memory_space<semaphore_mem>>)
      %dma_wait3A = arith.constant 0 : i32
      %dma_wait3A_14 = arith.constant 0 : i32
      %dma_wait3A_15 = tpu.memref_slice %arg5[%arg1, %dma_wait3A, %dma_wait3A_14] : memref<16x160x125xi32, #tpu.memory_space<hbm>> -> memref<1x160x125xi32, #tpu.memory_space<hbm>>
      %dma_wait3A_16 = tpu.memref_squeeze %dma_wait3A_15 : memref<1x160x125xi32, #tpu.memory_space<hbm>> -> memref<160x125xi32, #tpu.memory_space<hbm>>
      %dma_wait3A_17 = arith.constant 0 : i32
      %dma_wait3A_18 = arith.constant 0 : i32
      %dma_wait3A_19 = tpu.memref_slice %arg5[%arg1, %dma_wait3A_17, %dma_wait3A_18] : memref<16x160x125xi32, #tpu.memory_space<hbm>> -> memref<1x160x125xi32, #tpu.memory_space<hbm>>
      %dma_wait3A_20 = tpu.memref_squeeze %dma_wait3A_19 : memref<1x160x125xi32, #tpu.memory_space<hbm>> -> memref<160x125xi32, #tpu.memory_space<hbm>>
      tpu.wait_dma2 semaphore(%run_scoped3A : memref<!tpu.dma_semaphore, #tpu.memory_space<semaphore_mem>>) src(%dma_wait3A_20 : memref<160x125xi32, #tpu.memory_space<hbm>>) dst(%arg8 : memref<160x125xi32, #tpu.memory_space<vmem>>)
      tpu.yield
    }) : () -> ()
    "tpu.region"() ({
      %run_scoped3A = tpu.sem_alloc : memref<!tpu.dma_semaphore, #tpu.memory_space<semaphore_mem>>
      %dma_start3A = arith.constant 0 : i32
      %dma_start3A_7 = tpu.memref_slice %arg10[%mul3A_0, %dma_start3A] : memref<10240x64xf32, #tpu.memory_space<vmem_shared>> -> memref<640x64xf32, #tpu.memory_space<vmem_shared>>
      tpu.enqueue_dma source(%arg3 : memref<640x64xf32, #tpu.memory_space<hbm>>) target(%dma_start3A_7 : memref<640x64xf32, #tpu.memory_space<vmem_shared>>) target_semaphore(%run_scoped3A : memref<!tpu.dma_semaphore, #tpu.memory_space<semaphore_mem>>)
      %dma_wait3A = arith.constant 0 : i32
      %dma_wait3A_8 = tpu.memref_slice %arg10[%mul3A_0, %dma_wait3A] : memref<10240x64xf32, #tpu.memory_space<vmem_shared>> -> memref<640x64xf32, #tpu.memory_space<vmem_shared>>
      tpu.wait_dma2 semaphore(%run_scoped3A : memref<!tpu.dma_semaphore, #tpu.memory_space<semaphore_mem>>) src(%arg3 : memref<640x64xf32, #tpu.memory_space<hbm>>) dst(%dma_wait3A_8 : memref<640x64xf32, #tpu.memory_space<vmem_shared>>)
      tpu.yield
    }) : () -> ()
    "tpu.region"() ({
      %run_scoped3A = tpu.sem_alloc : memref<!tpu.dma_semaphore, #tpu.memory_space<semaphore_mem>>
      tpu.enqueue_dma source(%arg2 : memref<125x64xf32, #tpu.memory_space<hbm>>) target(%arg9 : memref<125x64xf32, #tpu.memory_space<vmem>>) target_semaphore(%run_scoped3A : memref<!tpu.dma_semaphore, #tpu.memory_space<semaphore_mem>>)
      tpu.wait_dma2 semaphore(%run_scoped3A : memref<!tpu.dma_semaphore, #tpu.memory_space<semaphore_mem>>) src(%arg2 : memref<125x64xf32, #tpu.memory_space<hbm>>) dst(%arg9 : memref<125x64xf32, #tpu.memory_space<vmem>>)
      tpu.yield
    }) : () -> ()
    %barrier3A = arith.constant 0 : index
    tpu.barrier barrier_id(%barrier3A)
    %scan3A = arith.constant 0 : i32
    %scan3A_1 = arith.constant 0 : i32
    %scan3A_2 = arith.constant 160 : i32
    %scan3A_3 = arith.addi %scan3A_1, %scan3A_2 : i32
    %scan3A_4 = arith.constant 1 : i32
    scf.for %scan3A_7 = %scan3A_1 to %scan3A_3 step %scan3A_4  : i32 {
      "tpu.region"() ({
        %run_scoped3A = tpu.sem_alloc : memref<!tpu.dma_semaphore, #tpu.memory_space<semaphore_mem>>
        %dma_start3A = arith.constant 0 : i32
        %dma_start3A_8 = tpu.memref_slice %arg7[%scan3A_7, %dma_start3A] : memref<160x125xi32, #tpu.memory_space<vmem>> -> memref<1x125xi32, #tpu.memory_space<vmem>>
        %dma_start3A_9 = tpu.memref_squeeze %dma_start3A_8 : memref<1x125xi32, #tpu.memory_space<vmem>> -> memref<125xi32, #tpu.memory_space<vmem>>
        %dma_start3A_10 = arith.constant 0 : i32
        %dma_start3A_11 = arith.constant 0 : i32
        %dma_start3A_12 = tpu.memref_slice %arg10[%dma_start3A_10, %dma_start3A_11] : memref<10240x64xf32, #tpu.memory_space<vmem_shared>> -> memref<10240x64xf32, #tpu.memory_space<vmem_shared>>
        tpu.enqueue_indirect_dma source(%arg9 : memref<125x64xf32, #tpu.memory_space<vmem>>) target(%dma_start3A_12 : memref<10240x64xf32, #tpu.memory_space<vmem_shared>>) offsets(%dma_start3A_9 : memref<125xi32, #tpu.memory_space<vmem>>) semaphore(%run_scoped3A : memref<!tpu.dma_semaphore, #tpu.memory_space<semaphore_mem>>) {add = true}
        %dma_wait3A = arith.constant 0 : i32
        %dma_wait3A_13 = tpu.memref_slice %arg7[%scan3A_7, %dma_wait3A] : memref<160x125xi32, #tpu.memory_space<vmem>> -> memref<1x125xi32, #tpu.memory_space<vmem>>
        %dma_wait3A_14 = tpu.memref_squeeze %dma_wait3A_13 : memref<1x125xi32, #tpu.memory_space<vmem>> -> memref<125xi32, #tpu.memory_space<vmem>>
        %dma_wait3A_15 = arith.constant 0 : i32
        %dma_wait3A_16 = arith.constant 0 : i32
        %dma_wait3A_17 = tpu.memref_slice %arg10[%dma_wait3A_15, %dma_wait3A_16] : memref<10240x64xf32, #tpu.memory_space<vmem_shared>> -> memref<10240x64xf32, #tpu.memory_space<vmem_shared>>
        tpu.wait_indirect_dma semaphore(%run_scoped3A : memref<!tpu.dma_semaphore, #tpu.memory_space<semaphore_mem>>) src(%arg9 : memref<125x64xf32, #tpu.memory_space<vmem>>) dst(%dma_wait3A_17 : memref<10240x64xf32, #tpu.memory_space<vmem_shared>>)
        tpu.yield
      }) : () -> ()
      "tpu.region"() ({
        %run_scoped3A = tpu.sem_alloc : memref<!tpu.dma_semaphore, #tpu.memory_space<semaphore_mem>>
        %dma_start3A = arith.constant 0 : i32
        %dma_start3A_8 = tpu.memref_slice %arg8[%scan3A_7, %dma_start3A] : memref<160x125xi32, #tpu.memory_space<vmem>> -> memref<1x125xi32, #tpu.memory_space<vmem>>
        %dma_start3A_9 = tpu.memref_squeeze %dma_start3A_8 : memref<1x125xi32, #tpu.memory_space<vmem>> -> memref<125xi32, #tpu.memory_space<vmem>>
        %dma_start3A_10 = arith.constant 0 : i32
        %dma_start3A_11 = arith.constant 0 : i32
        %dma_start3A_12 = tpu.memref_slice %arg10[%dma_start3A_10, %dma_start3A_11] : memref<10240x64xf32, #tpu.memory_space<vmem_shared>> -> memref<10240x64xf32, #tpu.memory_space<vmem_shared>>
        tpu.enqueue_indirect_dma source(%arg9 : memref<125x64xf32, #tpu.memory_space<vmem>>) target(%dma_start3A_12 : memref<10240x64xf32, #tpu.memory_space<vmem_shared>>) offsets(%dma_start3A_9 : memref<125xi32, #tpu.memory_space<vmem>>) semaphore(%run_scoped3A : memref<!tpu.dma_semaphore, #tpu.memory_space<semaphore_mem>>) {add = true}
        %dma_wait3A = arith.constant 0 : i32
        %dma_wait3A_13 = tpu.memref_slice %arg8[%scan3A_7, %dma_wait3A] : memref<160x125xi32, #tpu.memory_space<vmem>> -> memref<1x125xi32, #tpu.memory_space<vmem>>
        %dma_wait3A_14 = tpu.memref_squeeze %dma_wait3A_13 : memref<1x125xi32, #tpu.memory_space<vmem>> -> memref<125xi32, #tpu.memory_space<vmem>>
        %dma_wait3A_15 = arith.constant 0 : i32
        %dma_wait3A_16 = arith.constant 0 : i32
        %dma_wait3A_17 = tpu.memref_slice %arg10[%dma_wait3A_15, %dma_wait3A_16] : memref<10240x64xf32, #tpu.memory_space<vmem_shared>> -> memref<10240x64xf32, #tpu.memory_space<vmem_shared>>
        tpu.wait_indirect_dma semaphore(%run_scoped3A : memref<!tpu.dma_semaphore, #tpu.memory_space<semaphore_mem>>) src(%arg9 : memref<125x64xf32, #tpu.memory_space<vmem>>) dst(%dma_wait3A_17 : memref<10240x64xf32, #tpu.memory_space<vmem_shared>>)
        tpu.yield
      }) : () -> ()
    }
    %scan3A_5 = arith.constant 160 : i32
    %barrier3A_6 = arith.constant 0 : index
    tpu.barrier barrier_id(%barrier3A_6)
    "tpu.region"() ({
      %run_scoped3A = tpu.sem_alloc : memref<!tpu.dma_semaphore, #tpu.memory_space<semaphore_mem>>
      %dma_start3A = arith.constant 0 : i32
      %dma_start3A_7 = tpu.memref_slice %arg6[%arg0, %mul3A_0, %dma_start3A] : memref<2x10240x64xf32, #tpu.memory_space<hbm>> -> memref<1x640x64xf32, #tpu.memory_space<hbm>>
      %dma_start3A_8 = tpu.memref_squeeze %dma_start3A_7 : memref<1x640x64xf32, #tpu.memory_space<hbm>> -> memref<640x64xf32, #tpu.memory_space<hbm>>
      %dma_start3A_9 = arith.constant 0 : i32
      %dma_start3A_10 = tpu.memref_slice %arg10[%mul3A_0, %dma_start3A_9] : memref<10240x64xf32, #tpu.memory_space<vmem_shared>> -> memref<640x64xf32, #tpu.memory_space<vmem_shared>>
      tpu.enqueue_dma source(%dma_start3A_10 : memref<640x64xf32, #tpu.memory_space<vmem_shared>>) target(%dma_start3A_8 : memref<640x64xf32, #tpu.memory_space<hbm>>) target_semaphore(%run_scoped3A : memref<!tpu.dma_semaphore, #tpu.memory_space<semaphore_mem>>)
      %dma_wait3A = arith.constant 0 : i32
      %dma_wait3A_11 = tpu.memref_slice %arg6[%arg0, %mul3A_0, %dma_wait3A] : memref<2x10240x64xf32, #tpu.memory_space<hbm>> -> memref<1x640x64xf32, #tpu.memory_space<hbm>>
      %dma_wait3A_12 = tpu.memref_squeeze %dma_wait3A_11 : memref<1x640x64xf32, #tpu.memory_space<hbm>> -> memref<640x64xf32, #tpu.memory_space<hbm>>
      %dma_wait3A_13 = arith.constant 0 : i32
      %dma_wait3A_14 = tpu.memref_slice %arg10[%mul3A_0, %dma_wait3A_13] : memref<10240x64xf32, #tpu.memory_space<vmem_shared>> -> memref<640x64xf32, #tpu.memory_space<vmem_shared>>
      tpu.wait_dma2 semaphore(%run_scoped3A : memref<!tpu.dma_semaphore, #tpu.memory_space<semaphore_mem>>) src(%dma_wait3A_14 : memref<640x64xf32, #tpu.memory_space<vmem_shared>>) dst(%dma_wait3A_12 : memref<640x64xf32, #tpu.memory_space<hbm>>)
      tpu.yield
    }) : () -> ()
    return
  }
}

#map = affine_map<(d0, d1) -> (0, 0)>
#map1 = affine_map<(d0, d1) -> (0, 0, 0, 0)>
#map2 = affine_map<(d0, d1) -> (0, 0, 0)>
module attributes {stable_mosaic.version = 14 : i64} {
  func.func @run(%arg0: i32, %arg1: i32, %arg2: memref<20480x64xf32, #tpu.memory_space<hbm>>, %arg3: memref<640x64xf32, #tpu.memory_space<hbm>>, %arg4: memref<2x16x160x125xi32, #tpu.memory_space<hbm>>, %arg5: memref<16x160x125xi32, #tpu.memory_space<hbm>>, %arg6: memref<2x10240x64xf32, #tpu.memory_space<hbm>>, %arg7: memref<160x125xi32, #tpu.memory_space<vmem>>, %arg8: memref<160x125xi32, #tpu.memory_space<vmem>>, %arg9: memref<125x64xf32, #tpu.memory_space<vmem>>, %arg10: memref<125x64xf32, #tpu.memory_space<vmem>>, %arg11: memref<125x64xf32, #tpu.memory_space<vmem>>, %arg12: memref<125x64xf32, #tpu.memory_space<vmem>>, %arg13: memref<10240x64xf32, #tpu.memory_space<vmem_shared>>, %arg14: memref<!tpu.dma_semaphore, #tpu.memory_space<semaphore_mem>>, %arg15: memref<!tpu.dma_semaphore, #tpu.memory_space<semaphore_mem>>, %arg16: memref<!tpu.dma_semaphore, #tpu.memory_space<semaphore_mem>>, %arg17: memref<!tpu.dma_semaphore, #tpu.memory_space<semaphore_mem>>, %arg18: memref<!tpu.dma_semaphore, #tpu.memory_space<semaphore_mem>>, %arg19: memref<!tpu.dma_semaphore, #tpu.memory_space<semaphore_mem>>, %arg20: memref<!tpu.dma_semaphore, #tpu.memory_space<semaphore_mem>>, %arg21: memref<!tpu.dma_semaphore, #tpu.memory_space<semaphore_mem>>) attributes {dimension_semantics = [#tpu.dimension_semantics<core_parallel>, #tpu.dimension_semantics<subcore_parallel>], iteration_bounds = array<i64: 2, 16>, scalar_prefetch = 0 : i64, scratch_operands = 15 : i64, tpu.core_type = #tpu.core_type<sc_vector_subcore>, window_params = [{transform_indices = #map}, {transform_indices = #map}, {transform_indices = #map1}, {transform_indices = #map2}, {transform_indices = #map2}]} {
    %mul3A = arith.constant 640 : i32
    %mul3A_0 = arith.muli %arg1, %mul3A : i32
    "tpu.region"() ({
      %run_scoped3A = tpu.sem_alloc : memref<!tpu.dma_semaphore, #tpu.memory_space<semaphore_mem>>
      %dma_start3A_117 = arith.constant 0 : i32
      %dma_start3A_118 = arith.constant 0 : i32
      %dma_start3A_119 = tpu.memref_slice %arg4[%arg0, %arg1, %dma_start3A_117, %dma_start3A_118] : memref<2x16x160x125xi32, #tpu.memory_space<hbm>> -> memref<1x1x160x125xi32, #tpu.memory_space<hbm>>
      %dma_start3A_120 = tpu.memref_squeeze %dma_start3A_119 : memref<1x1x160x125xi32, #tpu.memory_space<hbm>> -> memref<160x125xi32, #tpu.memory_space<hbm>>
      %dma_start3A_121 = arith.constant 0 : i32
      %dma_start3A_122 = arith.constant 0 : i32
      %dma_start3A_123 = tpu.memref_slice %arg4[%arg0, %arg1, %dma_start3A_121, %dma_start3A_122] : memref<2x16x160x125xi32, #tpu.memory_space<hbm>> -> memref<1x1x160x125xi32, #tpu.memory_space<hbm>>
      %dma_start3A_124 = tpu.memref_squeeze %dma_start3A_123 : memref<1x1x160x125xi32, #tpu.memory_space<hbm>> -> memref<160x125xi32, #tpu.memory_space<hbm>>
      tpu.enqueue_dma source(%dma_start3A_124 : memref<160x125xi32, #tpu.memory_space<hbm>>) target(%arg7 : memref<160x125xi32, #tpu.memory_space<vmem>>) target_semaphore(%run_scoped3A : memref<!tpu.dma_semaphore, #tpu.memory_space<semaphore_mem>>)
      %dma_wait3A_125 = arith.constant 0 : i32
      %dma_wait3A_126 = arith.constant 0 : i32
      %dma_wait3A_127 = tpu.memref_slice %arg4[%arg0, %arg1, %dma_wait3A_125, %dma_wait3A_126] : memref<2x16x160x125xi32, #tpu.memory_space<hbm>> -> memref<1x1x160x125xi32, #tpu.memory_space<hbm>>
      %dma_wait3A_128 = tpu.memref_squeeze %dma_wait3A_127 : memref<1x1x160x125xi32, #tpu.memory_space<hbm>> -> memref<160x125xi32, #tpu.memory_space<hbm>>
      %dma_wait3A_129 = arith.constant 0 : i32
      %dma_wait3A_130 = arith.constant 0 : i32
      %dma_wait3A_131 = tpu.memref_slice %arg4[%arg0, %arg1, %dma_wait3A_129, %dma_wait3A_130] : memref<2x16x160x125xi32, #tpu.memory_space<hbm>> -> memref<1x1x160x125xi32, #tpu.memory_space<hbm>>
      %dma_wait3A_132 = tpu.memref_squeeze %dma_wait3A_131 : memref<1x1x160x125xi32, #tpu.memory_space<hbm>> -> memref<160x125xi32, #tpu.memory_space<hbm>>
      tpu.wait_dma2 semaphore(%run_scoped3A : memref<!tpu.dma_semaphore, #tpu.memory_space<semaphore_mem>>) src(%dma_wait3A_132 : memref<160x125xi32, #tpu.memory_space<hbm>>) dst(%arg7 : memref<160x125xi32, #tpu.memory_space<vmem>>)
      tpu.yield
    }) : () -> ()
    "tpu.region"() ({
      %run_scoped3A = tpu.sem_alloc : memref<!tpu.dma_semaphore, #tpu.memory_space<semaphore_mem>>
      %dma_start3A_117 = arith.constant 0 : i32
      %dma_start3A_118 = arith.constant 0 : i32
      %dma_start3A_119 = tpu.memref_slice %arg5[%arg1, %dma_start3A_117, %dma_start3A_118] : memref<16x160x125xi32, #tpu.memory_space<hbm>> -> memref<1x160x125xi32, #tpu.memory_space<hbm>>
      %dma_start3A_120 = tpu.memref_squeeze %dma_start3A_119 : memref<1x160x125xi32, #tpu.memory_space<hbm>> -> memref<160x125xi32, #tpu.memory_space<hbm>>
      %dma_start3A_121 = arith.constant 0 : i32
      %dma_start3A_122 = arith.constant 0 : i32
      %dma_start3A_123 = tpu.memref_slice %arg5[%arg1, %dma_start3A_121, %dma_start3A_122] : memref<16x160x125xi32, #tpu.memory_space<hbm>> -> memref<1x160x125xi32, #tpu.memory_space<hbm>>
      %dma_start3A_124 = tpu.memref_squeeze %dma_start3A_123 : memref<1x160x125xi32, #tpu.memory_space<hbm>> -> memref<160x125xi32, #tpu.memory_space<hbm>>
      tpu.enqueue_dma source(%dma_start3A_124 : memref<160x125xi32, #tpu.memory_space<hbm>>) target(%arg8 : memref<160x125xi32, #tpu.memory_space<vmem>>) target_semaphore(%run_scoped3A : memref<!tpu.dma_semaphore, #tpu.memory_space<semaphore_mem>>)
      %dma_wait3A_125 = arith.constant 0 : i32
      %dma_wait3A_126 = arith.constant 0 : i32
      %dma_wait3A_127 = tpu.memref_slice %arg5[%arg1, %dma_wait3A_125, %dma_wait3A_126] : memref<16x160x125xi32, #tpu.memory_space<hbm>> -> memref<1x160x125xi32, #tpu.memory_space<hbm>>
      %dma_wait3A_128 = tpu.memref_squeeze %dma_wait3A_127 : memref<1x160x125xi32, #tpu.memory_space<hbm>> -> memref<160x125xi32, #tpu.memory_space<hbm>>
      %dma_wait3A_129 = arith.constant 0 : i32
      %dma_wait3A_130 = arith.constant 0 : i32
      %dma_wait3A_131 = tpu.memref_slice %arg5[%arg1, %dma_wait3A_129, %dma_wait3A_130] : memref<16x160x125xi32, #tpu.memory_space<hbm>> -> memref<1x160x125xi32, #tpu.memory_space<hbm>>
      %dma_wait3A_132 = tpu.memref_squeeze %dma_wait3A_131 : memref<1x160x125xi32, #tpu.memory_space<hbm>> -> memref<160x125xi32, #tpu.memory_space<hbm>>
      tpu.wait_dma2 semaphore(%run_scoped3A : memref<!tpu.dma_semaphore, #tpu.memory_space<semaphore_mem>>) src(%dma_wait3A_132 : memref<160x125xi32, #tpu.memory_space<hbm>>) dst(%arg8 : memref<160x125xi32, #tpu.memory_space<vmem>>)
      tpu.yield
    }) : () -> ()
    "tpu.region"() ({
      %run_scoped3A = tpu.sem_alloc : memref<!tpu.dma_semaphore, #tpu.memory_space<semaphore_mem>>
      %dma_start3A_117 = arith.constant 0 : i32
      %dma_start3A_118 = tpu.memref_slice %arg13[%mul3A_0, %dma_start3A_117] : memref<10240x64xf32, #tpu.memory_space<vmem_shared>> -> memref<640x64xf32, #tpu.memory_space<vmem_shared>>
      tpu.enqueue_dma source(%arg3 : memref<640x64xf32, #tpu.memory_space<hbm>>) target(%dma_start3A_118 : memref<640x64xf32, #tpu.memory_space<vmem_shared>>) target_semaphore(%run_scoped3A : memref<!tpu.dma_semaphore, #tpu.memory_space<semaphore_mem>>)
      %dma_wait3A_119 = arith.constant 0 : i32
      %dma_wait3A_120 = tpu.memref_slice %arg13[%mul3A_0, %dma_wait3A_119] : memref<10240x64xf32, #tpu.memory_space<vmem_shared>> -> memref<640x64xf32, #tpu.memory_space<vmem_shared>>
      tpu.wait_dma2 semaphore(%run_scoped3A : memref<!tpu.dma_semaphore, #tpu.memory_space<semaphore_mem>>) src(%arg3 : memref<640x64xf32, #tpu.memory_space<hbm>>) dst(%dma_wait3A_120 : memref<640x64xf32, #tpu.memory_space<vmem_shared>>)
      tpu.yield
    }) : () -> ()
    %barrier3A = arith.constant 0 : index
    tpu.barrier barrier_id(%barrier3A)
    %dma_start3A = arith.constant 0 : i32
    %dma_start3A_1 = arith.constant 0 : i32
    %dma_start3A_2 = tpu.memref_slice %arg7[%dma_start3A, %dma_start3A_1] : memref<160x125xi32, #tpu.memory_space<vmem>> -> memref<1x125xi32, #tpu.memory_space<vmem>>
    %dma_start3A_3 = tpu.memref_squeeze %dma_start3A_2 : memref<1x125xi32, #tpu.memory_space<vmem>> -> memref<125xi32, #tpu.memory_space<vmem>>
    %dma_start3A_4 = arith.constant 0 : i32
    %dma_start3A_5 = arith.constant 0 : i32
    %dma_start3A_6 = tpu.memref_slice %arg2[%dma_start3A_4, %dma_start3A_5] : memref<20480x64xf32, #tpu.memory_space<hbm>> -> memref<20480x64xf32, #tpu.memory_space<hbm>>
    tpu.enqueue_indirect_dma source(%dma_start3A_6 : memref<20480x64xf32, #tpu.memory_space<hbm>>) target(%arg9 : memref<125x64xf32, #tpu.memory_space<vmem>>) offsets(%dma_start3A_3 : memref<125xi32, #tpu.memory_space<vmem>>) semaphore(%arg14 : memref<!tpu.dma_semaphore, #tpu.memory_space<semaphore_mem>>)
    %dma_start3A_7 = arith.constant 1 : i32
    %dma_start3A_8 = arith.constant 0 : i32
    %dma_start3A_9 = tpu.memref_slice %arg7[%dma_start3A_7, %dma_start3A_8] : memref<160x125xi32, #tpu.memory_space<vmem>> -> memref<1x125xi32, #tpu.memory_space<vmem>>
    %dma_start3A_10 = tpu.memref_squeeze %dma_start3A_9 : memref<1x125xi32, #tpu.memory_space<vmem>> -> memref<125xi32, #tpu.memory_space<vmem>>
    %dma_start3A_11 = arith.constant 0 : i32
    %dma_start3A_12 = arith.constant 0 : i32
    %dma_start3A_13 = tpu.memref_slice %arg2[%dma_start3A_11, %dma_start3A_12] : memref<20480x64xf32, #tpu.memory_space<hbm>> -> memref<20480x64xf32, #tpu.memory_space<hbm>>
    tpu.enqueue_indirect_dma source(%dma_start3A_13 : memref<20480x64xf32, #tpu.memory_space<hbm>>) target(%arg10 : memref<125x64xf32, #tpu.memory_space<vmem>>) offsets(%dma_start3A_10 : memref<125xi32, #tpu.memory_space<vmem>>) semaphore(%arg15 : memref<!tpu.dma_semaphore, #tpu.memory_space<semaphore_mem>>)
    %dma_start3A_14 = arith.constant 2 : i32
    %dma_start3A_15 = arith.constant 0 : i32
    %dma_start3A_16 = tpu.memref_slice %arg7[%dma_start3A_14, %dma_start3A_15] : memref<160x125xi32, #tpu.memory_space<vmem>> -> memref<1x125xi32, #tpu.memory_space<vmem>>
    %dma_start3A_17 = tpu.memref_squeeze %dma_start3A_16 : memref<1x125xi32, #tpu.memory_space<vmem>> -> memref<125xi32, #tpu.memory_space<vmem>>
    %dma_start3A_18 = arith.constant 0 : i32
    %dma_start3A_19 = arith.constant 0 : i32
    %dma_start3A_20 = tpu.memref_slice %arg2[%dma_start3A_18, %dma_start3A_19] : memref<20480x64xf32, #tpu.memory_space<hbm>> -> memref<20480x64xf32, #tpu.memory_space<hbm>>
    tpu.enqueue_indirect_dma source(%dma_start3A_20 : memref<20480x64xf32, #tpu.memory_space<hbm>>) target(%arg11 : memref<125x64xf32, #tpu.memory_space<vmem>>) offsets(%dma_start3A_17 : memref<125xi32, #tpu.memory_space<vmem>>) semaphore(%arg16 : memref<!tpu.dma_semaphore, #tpu.memory_space<semaphore_mem>>)
    %dma_start3A_21 = arith.constant 3 : i32
    %dma_start3A_22 = arith.constant 0 : i32
    %dma_start3A_23 = tpu.memref_slice %arg7[%dma_start3A_21, %dma_start3A_22] : memref<160x125xi32, #tpu.memory_space<vmem>> -> memref<1x125xi32, #tpu.memory_space<vmem>>
    %dma_start3A_24 = tpu.memref_squeeze %dma_start3A_23 : memref<1x125xi32, #tpu.memory_space<vmem>> -> memref<125xi32, #tpu.memory_space<vmem>>
    %dma_start3A_25 = arith.constant 0 : i32
    %dma_start3A_26 = arith.constant 0 : i32
    %dma_start3A_27 = tpu.memref_slice %arg2[%dma_start3A_25, %dma_start3A_26] : memref<20480x64xf32, #tpu.memory_space<hbm>> -> memref<20480x64xf32, #tpu.memory_space<hbm>>
    tpu.enqueue_indirect_dma source(%dma_start3A_27 : memref<20480x64xf32, #tpu.memory_space<hbm>>) target(%arg12 : memref<125x64xf32, #tpu.memory_space<vmem>>) offsets(%dma_start3A_24 : memref<125xi32, #tpu.memory_space<vmem>>) semaphore(%arg17 : memref<!tpu.dma_semaphore, #tpu.memory_space<semaphore_mem>>)
    %dma_wait3A = arith.constant 0 : i32
    %dma_wait3A_28 = arith.constant 0 : i32
    %dma_wait3A_29 = tpu.memref_slice %arg7[%dma_wait3A, %dma_wait3A_28] : memref<160x125xi32, #tpu.memory_space<vmem>> -> memref<1x125xi32, #tpu.memory_space<vmem>>
    %dma_wait3A_30 = tpu.memref_squeeze %dma_wait3A_29 : memref<1x125xi32, #tpu.memory_space<vmem>> -> memref<125xi32, #tpu.memory_space<vmem>>
    %dma_wait3A_31 = arith.constant 0 : i32
    %dma_wait3A_32 = arith.constant 0 : i32
    %dma_wait3A_33 = tpu.memref_slice %arg2[%dma_wait3A_31, %dma_wait3A_32] : memref<20480x64xf32, #tpu.memory_space<hbm>> -> memref<20480x64xf32, #tpu.memory_space<hbm>>
    tpu.wait_indirect_dma semaphore(%arg14 : memref<!tpu.dma_semaphore, #tpu.memory_space<semaphore_mem>>) src(%dma_wait3A_33 : memref<20480x64xf32, #tpu.memory_space<hbm>>) dst(%arg9 : memref<125x64xf32, #tpu.memory_space<vmem>>)
    %dma_start3A_34 = arith.constant 0 : i32
    %dma_start3A_35 = arith.constant 0 : i32
    %dma_start3A_36 = tpu.memref_slice %arg8[%dma_start3A_34, %dma_start3A_35] : memref<160x125xi32, #tpu.memory_space<vmem>> -> memref<1x125xi32, #tpu.memory_space<vmem>>
    %dma_start3A_37 = tpu.memref_squeeze %dma_start3A_36 : memref<1x125xi32, #tpu.memory_space<vmem>> -> memref<125xi32, #tpu.memory_space<vmem>>
    %dma_start3A_38 = arith.constant 0 : i32
    %dma_start3A_39 = arith.constant 0 : i32
    %dma_start3A_40 = tpu.memref_slice %arg13[%dma_start3A_38, %dma_start3A_39] : memref<10240x64xf32, #tpu.memory_space<vmem_shared>> -> memref<10240x64xf32, #tpu.memory_space<vmem_shared>>
    tpu.enqueue_indirect_dma source(%arg9 : memref<125x64xf32, #tpu.memory_space<vmem>>) target(%dma_start3A_40 : memref<10240x64xf32, #tpu.memory_space<vmem_shared>>) offsets(%dma_start3A_37 : memref<125xi32, #tpu.memory_space<vmem>>) semaphore(%arg18 : memref<!tpu.dma_semaphore, #tpu.memory_space<semaphore_mem>>) {add = true}
    %dma_wait3A_41 = arith.constant 0 : i32
    %dma_wait3A_42 = arith.constant 0 : i32
    %dma_wait3A_43 = tpu.memref_slice %arg7[%dma_wait3A_41, %dma_wait3A_42] : memref<160x125xi32, #tpu.memory_space<vmem>> -> memref<1x125xi32, #tpu.memory_space<vmem>>
    %dma_wait3A_44 = tpu.memref_squeeze %dma_wait3A_43 : memref<1x125xi32, #tpu.memory_space<vmem>> -> memref<125xi32, #tpu.memory_space<vmem>>
    %dma_wait3A_45 = arith.constant 0 : i32
    %dma_wait3A_46 = arith.constant 0 : i32
    %dma_wait3A_47 = tpu.memref_slice %arg2[%dma_wait3A_45, %dma_wait3A_46] : memref<20480x64xf32, #tpu.memory_space<hbm>> -> memref<20480x64xf32, #tpu.memory_space<hbm>>
    tpu.wait_indirect_dma semaphore(%arg15 : memref<!tpu.dma_semaphore, #tpu.memory_space<semaphore_mem>>) src(%dma_wait3A_47 : memref<20480x64xf32, #tpu.memory_space<hbm>>) dst(%arg10 : memref<125x64xf32, #tpu.memory_space<vmem>>)
    %dma_start3A_48 = arith.constant 1 : i32
    %dma_start3A_49 = arith.constant 0 : i32
    %dma_start3A_50 = tpu.memref_slice %arg8[%dma_start3A_48, %dma_start3A_49] : memref<160x125xi32, #tpu.memory_space<vmem>> -> memref<1x125xi32, #tpu.memory_space<vmem>>
    %dma_start3A_51 = tpu.memref_squeeze %dma_start3A_50 : memref<1x125xi32, #tpu.memory_space<vmem>> -> memref<125xi32, #tpu.memory_space<vmem>>
    %dma_start3A_52 = arith.constant 0 : i32
    %dma_start3A_53 = arith.constant 0 : i32
    %dma_start3A_54 = tpu.memref_slice %arg13[%dma_start3A_52, %dma_start3A_53] : memref<10240x64xf32, #tpu.memory_space<vmem_shared>> -> memref<10240x64xf32, #tpu.memory_space<vmem_shared>>
    tpu.enqueue_indirect_dma source(%arg10 : memref<125x64xf32, #tpu.memory_space<vmem>>) target(%dma_start3A_54 : memref<10240x64xf32, #tpu.memory_space<vmem_shared>>) offsets(%dma_start3A_51 : memref<125xi32, #tpu.memory_space<vmem>>) semaphore(%arg19 : memref<!tpu.dma_semaphore, #tpu.memory_space<semaphore_mem>>) {add = true}
    %dma_wait3A_55 = arith.constant 0 : i32
    %dma_wait3A_56 = arith.constant 0 : i32
    %dma_wait3A_57 = tpu.memref_slice %arg7[%dma_wait3A_55, %dma_wait3A_56] : memref<160x125xi32, #tpu.memory_space<vmem>> -> memref<1x125xi32, #tpu.memory_space<vmem>>
    %dma_wait3A_58 = tpu.memref_squeeze %dma_wait3A_57 : memref<1x125xi32, #tpu.memory_space<vmem>> -> memref<125xi32, #tpu.memory_space<vmem>>
    %dma_wait3A_59 = arith.constant 0 : i32
    %dma_wait3A_60 = arith.constant 0 : i32
    %dma_wait3A_61 = tpu.memref_slice %arg2[%dma_wait3A_59, %dma_wait3A_60] : memref<20480x64xf32, #tpu.memory_space<hbm>> -> memref<20480x64xf32, #tpu.memory_space<hbm>>
    tpu.wait_indirect_dma semaphore(%arg16 : memref<!tpu.dma_semaphore, #tpu.memory_space<semaphore_mem>>) src(%dma_wait3A_61 : memref<20480x64xf32, #tpu.memory_space<hbm>>) dst(%arg11 : memref<125x64xf32, #tpu.memory_space<vmem>>)
    %dma_start3A_62 = arith.constant 2 : i32
    %dma_start3A_63 = arith.constant 0 : i32
    %dma_start3A_64 = tpu.memref_slice %arg8[%dma_start3A_62, %dma_start3A_63] : memref<160x125xi32, #tpu.memory_space<vmem>> -> memref<1x125xi32, #tpu.memory_space<vmem>>
    %dma_start3A_65 = tpu.memref_squeeze %dma_start3A_64 : memref<1x125xi32, #tpu.memory_space<vmem>> -> memref<125xi32, #tpu.memory_space<vmem>>
    %dma_start3A_66 = arith.constant 0 : i32
    %dma_start3A_67 = arith.constant 0 : i32
    %dma_start3A_68 = tpu.memref_slice %arg13[%dma_start3A_66, %dma_start3A_67] : memref<10240x64xf32, #tpu.memory_space<vmem_shared>> -> memref<10240x64xf32, #tpu.memory_space<vmem_shared>>
    tpu.enqueue_indirect_dma source(%arg11 : memref<125x64xf32, #tpu.memory_space<vmem>>) target(%dma_start3A_68 : memref<10240x64xf32, #tpu.memory_space<vmem_shared>>) offsets(%dma_start3A_65 : memref<125xi32, #tpu.memory_space<vmem>>) semaphore(%arg20 : memref<!tpu.dma_semaphore, #tpu.memory_space<semaphore_mem>>) {add = true}
    %dma_wait3A_69 = arith.constant 0 : i32
    %dma_wait3A_70 = arith.constant 0 : i32
    %dma_wait3A_71 = tpu.memref_slice %arg7[%dma_wait3A_69, %dma_wait3A_70] : memref<160x125xi32, #tpu.memory_space<vmem>> -> memref<1x125xi32, #tpu.memory_space<vmem>>
    %dma_wait3A_72 = tpu.memref_squeeze %dma_wait3A_71 : memref<1x125xi32, #tpu.memory_space<vmem>> -> memref<125xi32, #tpu.memory_space<vmem>>
    %dma_wait3A_73 = arith.constant 0 : i32
    %dma_wait3A_74 = arith.constant 0 : i32
    %dma_wait3A_75 = tpu.memref_slice %arg2[%dma_wait3A_73, %dma_wait3A_74] : memref<20480x64xf32, #tpu.memory_space<hbm>> -> memref<20480x64xf32, #tpu.memory_space<hbm>>
    tpu.wait_indirect_dma semaphore(%arg17 : memref<!tpu.dma_semaphore, #tpu.memory_space<semaphore_mem>>) src(%dma_wait3A_75 : memref<20480x64xf32, #tpu.memory_space<hbm>>) dst(%arg12 : memref<125x64xf32, #tpu.memory_space<vmem>>)
    %dma_start3A_76 = arith.constant 3 : i32
    %dma_start3A_77 = arith.constant 0 : i32
    %dma_start3A_78 = tpu.memref_slice %arg8[%dma_start3A_76, %dma_start3A_77] : memref<160x125xi32, #tpu.memory_space<vmem>> -> memref<1x125xi32, #tpu.memory_space<vmem>>
    %dma_start3A_79 = tpu.memref_squeeze %dma_start3A_78 : memref<1x125xi32, #tpu.memory_space<vmem>> -> memref<125xi32, #tpu.memory_space<vmem>>
    %dma_start3A_80 = arith.constant 0 : i32
    %dma_start3A_81 = arith.constant 0 : i32
    %dma_start3A_82 = tpu.memref_slice %arg13[%dma_start3A_80, %dma_start3A_81] : memref<10240x64xf32, #tpu.memory_space<vmem_shared>> -> memref<10240x64xf32, #tpu.memory_space<vmem_shared>>
    tpu.enqueue_indirect_dma source(%arg12 : memref<125x64xf32, #tpu.memory_space<vmem>>) target(%dma_start3A_82 : memref<10240x64xf32, #tpu.memory_space<vmem_shared>>) offsets(%dma_start3A_79 : memref<125xi32, #tpu.memory_space<vmem>>) semaphore(%arg21 : memref<!tpu.dma_semaphore, #tpu.memory_space<semaphore_mem>>) {add = true}
    %scan3A = arith.constant 0 : i32
    %scan3A_83 = arith.constant 1 : i32
    %scan3A_84 = arith.constant 39 : i32
    %scan3A_85 = arith.addi %scan3A_83, %scan3A_84 : i32
    %scan3A_86 = arith.constant 1 : i32
    scf.for %scan3A_117 = %scan3A_83 to %scan3A_85 step %scan3A_86  : i32 {
      %mul3A_118 = arith.constant 4 : i32
      %mul3A_119 = arith.muli %mul3A_118, %scan3A_117 : i32
      %dma_wait3A_120 = arith.constant 0 : i32
      %dma_wait3A_121 = arith.constant 0 : i32
      %dma_wait3A_122 = tpu.memref_slice %arg7[%dma_wait3A_120, %dma_wait3A_121] : memref<160x125xi32, #tpu.memory_space<vmem>> -> memref<1x125xi32, #tpu.memory_space<vmem>>
      %dma_wait3A_123 = tpu.memref_squeeze %dma_wait3A_122 : memref<1x125xi32, #tpu.memory_space<vmem>> -> memref<125xi32, #tpu.memory_space<vmem>>
      %dma_wait3A_124 = arith.constant 0 : i32
      %dma_wait3A_125 = arith.constant 0 : i32
      %dma_wait3A_126 = tpu.memref_slice %arg2[%dma_wait3A_124, %dma_wait3A_125] : memref<20480x64xf32, #tpu.memory_space<hbm>> -> memref<20480x64xf32, #tpu.memory_space<hbm>>
      tpu.wait_indirect_dma semaphore(%arg18 : memref<!tpu.dma_semaphore, #tpu.memory_space<semaphore_mem>>) src(%dma_wait3A_126 : memref<20480x64xf32, #tpu.memory_space<hbm>>) dst(%arg9 : memref<125x64xf32, #tpu.memory_space<vmem>>)
      %add3A = arith.constant 0 : i32
      %add3A_127 = arith.addi %mul3A_119, %add3A : i32
      %dma_start3A_128 = arith.constant 0 : i32
      %dma_start3A_129 = tpu.memref_slice %arg7[%add3A_127, %dma_start3A_128] : memref<160x125xi32, #tpu.memory_space<vmem>> -> memref<1x125xi32, #tpu.memory_space<vmem>>
      %dma_start3A_130 = tpu.memref_squeeze %dma_start3A_129 : memref<1x125xi32, #tpu.memory_space<vmem>> -> memref<125xi32, #tpu.memory_space<vmem>>
      %dma_start3A_131 = arith.constant 0 : i32
      %dma_start3A_132 = arith.constant 0 : i32
      %dma_start3A_133 = tpu.memref_slice %arg2[%dma_start3A_131, %dma_start3A_132] : memref<20480x64xf32, #tpu.memory_space<hbm>> -> memref<20480x64xf32, #tpu.memory_space<hbm>>
      tpu.enqueue_indirect_dma source(%dma_start3A_133 : memref<20480x64xf32, #tpu.memory_space<hbm>>) target(%arg9 : memref<125x64xf32, #tpu.memory_space<vmem>>) offsets(%dma_start3A_130 : memref<125xi32, #tpu.memory_space<vmem>>) semaphore(%arg14 : memref<!tpu.dma_semaphore, #tpu.memory_space<semaphore_mem>>)
      %dma_wait3A_134 = arith.constant 0 : i32
      %dma_wait3A_135 = arith.constant 0 : i32
      %dma_wait3A_136 = tpu.memref_slice %arg7[%dma_wait3A_134, %dma_wait3A_135] : memref<160x125xi32, #tpu.memory_space<vmem>> -> memref<1x125xi32, #tpu.memory_space<vmem>>
      %dma_wait3A_137 = tpu.memref_squeeze %dma_wait3A_136 : memref<1x125xi32, #tpu.memory_space<vmem>> -> memref<125xi32, #tpu.memory_space<vmem>>
      %dma_wait3A_138 = arith.constant 0 : i32
      %dma_wait3A_139 = arith.constant 0 : i32
      %dma_wait3A_140 = tpu.memref_slice %arg2[%dma_wait3A_138, %dma_wait3A_139] : memref<20480x64xf32, #tpu.memory_space<hbm>> -> memref<20480x64xf32, #tpu.memory_space<hbm>>
      tpu.wait_indirect_dma semaphore(%arg19 : memref<!tpu.dma_semaphore, #tpu.memory_space<semaphore_mem>>) src(%dma_wait3A_140 : memref<20480x64xf32, #tpu.memory_space<hbm>>) dst(%arg10 : memref<125x64xf32, #tpu.memory_space<vmem>>)
      %add3A_141 = arith.constant 1 : i32
      %add3A_142 = arith.addi %mul3A_119, %add3A_141 : i32
      %dma_start3A_143 = arith.constant 0 : i32
      %dma_start3A_144 = tpu.memref_slice %arg7[%add3A_142, %dma_start3A_143] : memref<160x125xi32, #tpu.memory_space<vmem>> -> memref<1x125xi32, #tpu.memory_space<vmem>>
      %dma_start3A_145 = tpu.memref_squeeze %dma_start3A_144 : memref<1x125xi32, #tpu.memory_space<vmem>> -> memref<125xi32, #tpu.memory_space<vmem>>
      %dma_start3A_146 = arith.constant 0 : i32
      %dma_start3A_147 = arith.constant 0 : i32
      %dma_start3A_148 = tpu.memref_slice %arg2[%dma_start3A_146, %dma_start3A_147] : memref<20480x64xf32, #tpu.memory_space<hbm>> -> memref<20480x64xf32, #tpu.memory_space<hbm>>
      tpu.enqueue_indirect_dma source(%dma_start3A_148 : memref<20480x64xf32, #tpu.memory_space<hbm>>) target(%arg10 : memref<125x64xf32, #tpu.memory_space<vmem>>) offsets(%dma_start3A_145 : memref<125xi32, #tpu.memory_space<vmem>>) semaphore(%arg15 : memref<!tpu.dma_semaphore, #tpu.memory_space<semaphore_mem>>)
      %dma_wait3A_149 = arith.constant 0 : i32
      %dma_wait3A_150 = arith.constant 0 : i32
      %dma_wait3A_151 = tpu.memref_slice %arg7[%dma_wait3A_149, %dma_wait3A_150] : memref<160x125xi32, #tpu.memory_space<vmem>> -> memref<1x125xi32, #tpu.memory_space<vmem>>
      %dma_wait3A_152 = tpu.memref_squeeze %dma_wait3A_151 : memref<1x125xi32, #tpu.memory_space<vmem>> -> memref<125xi32, #tpu.memory_space<vmem>>
      %dma_wait3A_153 = arith.constant 0 : i32
      %dma_wait3A_154 = arith.constant 0 : i32
      %dma_wait3A_155 = tpu.memref_slice %arg2[%dma_wait3A_153, %dma_wait3A_154] : memref<20480x64xf32, #tpu.memory_space<hbm>> -> memref<20480x64xf32, #tpu.memory_space<hbm>>
      tpu.wait_indirect_dma semaphore(%arg20 : memref<!tpu.dma_semaphore, #tpu.memory_space<semaphore_mem>>) src(%dma_wait3A_155 : memref<20480x64xf32, #tpu.memory_space<hbm>>) dst(%arg11 : memref<125x64xf32, #tpu.memory_space<vmem>>)
      %add3A_156 = arith.constant 2 : i32
      %add3A_157 = arith.addi %mul3A_119, %add3A_156 : i32
      %dma_start3A_158 = arith.constant 0 : i32
      %dma_start3A_159 = tpu.memref_slice %arg7[%add3A_157, %dma_start3A_158] : memref<160x125xi32, #tpu.memory_space<vmem>> -> memref<1x125xi32, #tpu.memory_space<vmem>>
      %dma_start3A_160 = tpu.memref_squeeze %dma_start3A_159 : memref<1x125xi32, #tpu.memory_space<vmem>> -> memref<125xi32, #tpu.memory_space<vmem>>
      %dma_start3A_161 = arith.constant 0 : i32
      %dma_start3A_162 = arith.constant 0 : i32
      %dma_start3A_163 = tpu.memref_slice %arg2[%dma_start3A_161, %dma_start3A_162] : memref<20480x64xf32, #tpu.memory_space<hbm>> -> memref<20480x64xf32, #tpu.memory_space<hbm>>
      tpu.enqueue_indirect_dma source(%dma_start3A_163 : memref<20480x64xf32, #tpu.memory_space<hbm>>) target(%arg11 : memref<125x64xf32, #tpu.memory_space<vmem>>) offsets(%dma_start3A_160 : memref<125xi32, #tpu.memory_space<vmem>>) semaphore(%arg16 : memref<!tpu.dma_semaphore, #tpu.memory_space<semaphore_mem>>)
      %dma_wait3A_164 = arith.constant 0 : i32
      %dma_wait3A_165 = arith.constant 0 : i32
      %dma_wait3A_166 = tpu.memref_slice %arg7[%dma_wait3A_164, %dma_wait3A_165] : memref<160x125xi32, #tpu.memory_space<vmem>> -> memref<1x125xi32, #tpu.memory_space<vmem>>
      %dma_wait3A_167 = tpu.memref_squeeze %dma_wait3A_166 : memref<1x125xi32, #tpu.memory_space<vmem>> -> memref<125xi32, #tpu.memory_space<vmem>>
      %dma_wait3A_168 = arith.constant 0 : i32
      %dma_wait3A_169 = arith.constant 0 : i32
      %dma_wait3A_170 = tpu.memref_slice %arg2[%dma_wait3A_168, %dma_wait3A_169] : memref<20480x64xf32, #tpu.memory_space<hbm>> -> memref<20480x64xf32, #tpu.memory_space<hbm>>
      tpu.wait_indirect_dma semaphore(%arg21 : memref<!tpu.dma_semaphore, #tpu.memory_space<semaphore_mem>>) src(%dma_wait3A_170 : memref<20480x64xf32, #tpu.memory_space<hbm>>) dst(%arg12 : memref<125x64xf32, #tpu.memory_space<vmem>>)
      %add3A_171 = arith.constant 3 : i32
      %add3A_172 = arith.addi %mul3A_119, %add3A_171 : i32
      %dma_start3A_173 = arith.constant 0 : i32
      %dma_start3A_174 = tpu.memref_slice %arg7[%add3A_172, %dma_start3A_173] : memref<160x125xi32, #tpu.memory_space<vmem>> -> memref<1x125xi32, #tpu.memory_space<vmem>>
      %dma_start3A_175 = tpu.memref_squeeze %dma_start3A_174 : memref<1x125xi32, #tpu.memory_space<vmem>> -> memref<125xi32, #tpu.memory_space<vmem>>
      %dma_start3A_176 = arith.constant 0 : i32
      %dma_start3A_177 = arith.constant 0 : i32
      %dma_start3A_178 = tpu.memref_slice %arg2[%dma_start3A_176, %dma_start3A_177] : memref<20480x64xf32, #tpu.memory_space<hbm>> -> memref<20480x64xf32, #tpu.memory_space<hbm>>
      tpu.enqueue_indirect_dma source(%dma_start3A_178 : memref<20480x64xf32, #tpu.memory_space<hbm>>) target(%arg12 : memref<125x64xf32, #tpu.memory_space<vmem>>) offsets(%dma_start3A_175 : memref<125xi32, #tpu.memory_space<vmem>>) semaphore(%arg17 : memref<!tpu.dma_semaphore, #tpu.memory_space<semaphore_mem>>)
      %dma_wait3A_179 = arith.constant 0 : i32
      %dma_wait3A_180 = arith.constant 0 : i32
      %dma_wait3A_181 = tpu.memref_slice %arg7[%dma_wait3A_179, %dma_wait3A_180] : memref<160x125xi32, #tpu.memory_space<vmem>> -> memref<1x125xi32, #tpu.memory_space<vmem>>
      %dma_wait3A_182 = tpu.memref_squeeze %dma_wait3A_181 : memref<1x125xi32, #tpu.memory_space<vmem>> -> memref<125xi32, #tpu.memory_space<vmem>>
      %dma_wait3A_183 = arith.constant 0 : i32
      %dma_wait3A_184 = arith.constant 0 : i32
      %dma_wait3A_185 = tpu.memref_slice %arg2[%dma_wait3A_183, %dma_wait3A_184] : memref<20480x64xf32, #tpu.memory_space<hbm>> -> memref<20480x64xf32, #tpu.memory_space<hbm>>
      tpu.wait_indirect_dma semaphore(%arg14 : memref<!tpu.dma_semaphore, #tpu.memory_space<semaphore_mem>>) src(%dma_wait3A_185 : memref<20480x64xf32, #tpu.memory_space<hbm>>) dst(%arg9 : memref<125x64xf32, #tpu.memory_space<vmem>>)
      %add3A_186 = arith.constant 0 : i32
      %add3A_187 = arith.addi %mul3A_119, %add3A_186 : i32
      %dma_start3A_188 = arith.constant 0 : i32
      %dma_start3A_189 = tpu.memref_slice %arg8[%add3A_187, %dma_start3A_188] : memref<160x125xi32, #tpu.memory_space<vmem>> -> memref<1x125xi32, #tpu.memory_space<vmem>>
      %dma_start3A_190 = tpu.memref_squeeze %dma_start3A_189 : memref<1x125xi32, #tpu.memory_space<vmem>> -> memref<125xi32, #tpu.memory_space<vmem>>
      %dma_start3A_191 = arith.constant 0 : i32
      %dma_start3A_192 = arith.constant 0 : i32
      %dma_start3A_193 = tpu.memref_slice %arg13[%dma_start3A_191, %dma_start3A_192] : memref<10240x64xf32, #tpu.memory_space<vmem_shared>> -> memref<10240x64xf32, #tpu.memory_space<vmem_shared>>
      tpu.enqueue_indirect_dma source(%arg9 : memref<125x64xf32, #tpu.memory_space<vmem>>) target(%dma_start3A_193 : memref<10240x64xf32, #tpu.memory_space<vmem_shared>>) offsets(%dma_start3A_190 : memref<125xi32, #tpu.memory_space<vmem>>) semaphore(%arg18 : memref<!tpu.dma_semaphore, #tpu.memory_space<semaphore_mem>>) {add = true}
      %dma_wait3A_194 = arith.constant 0 : i32
      %dma_wait3A_195 = arith.constant 0 : i32
      %dma_wait3A_196 = tpu.memref_slice %arg7[%dma_wait3A_194, %dma_wait3A_195] : memref<160x125xi32, #tpu.memory_space<vmem>> -> memref<1x125xi32, #tpu.memory_space<vmem>>
      %dma_wait3A_197 = tpu.memref_squeeze %dma_wait3A_196 : memref<1x125xi32, #tpu.memory_space<vmem>> -> memref<125xi32, #tpu.memory_space<vmem>>
      %dma_wait3A_198 = arith.constant 0 : i32
      %dma_wait3A_199 = arith.constant 0 : i32
      %dma_wait3A_200 = tpu.memref_slice %arg2[%dma_wait3A_198, %dma_wait3A_199] : memref<20480x64xf32, #tpu.memory_space<hbm>> -> memref<20480x64xf32, #tpu.memory_space<hbm>>
      tpu.wait_indirect_dma semaphore(%arg15 : memref<!tpu.dma_semaphore, #tpu.memory_space<semaphore_mem>>) src(%dma_wait3A_200 : memref<20480x64xf32, #tpu.memory_space<hbm>>) dst(%arg10 : memref<125x64xf32, #tpu.memory_space<vmem>>)
      %add3A_201 = arith.constant 1 : i32
      %add3A_202 = arith.addi %mul3A_119, %add3A_201 : i32
      %dma_start3A_203 = arith.constant 0 : i32
      %dma_start3A_204 = tpu.memref_slice %arg8[%add3A_202, %dma_start3A_203] : memref<160x125xi32, #tpu.memory_space<vmem>> -> memref<1x125xi32, #tpu.memory_space<vmem>>
      %dma_start3A_205 = tpu.memref_squeeze %dma_start3A_204 : memref<1x125xi32, #tpu.memory_space<vmem>> -> memref<125xi32, #tpu.memory_space<vmem>>
      %dma_start3A_206 = arith.constant 0 : i32
      %dma_start3A_207 = arith.constant 0 : i32
      %dma_start3A_208 = tpu.memref_slice %arg13[%dma_start3A_206, %dma_start3A_207] : memref<10240x64xf32, #tpu.memory_space<vmem_shared>> -> memref<10240x64xf32, #tpu.memory_space<vmem_shared>>
      tpu.enqueue_indirect_dma source(%arg10 : memref<125x64xf32, #tpu.memory_space<vmem>>) target(%dma_start3A_208 : memref<10240x64xf32, #tpu.memory_space<vmem_shared>>) offsets(%dma_start3A_205 : memref<125xi32, #tpu.memory_space<vmem>>) semaphore(%arg19 : memref<!tpu.dma_semaphore, #tpu.memory_space<semaphore_mem>>) {add = true}
      %dma_wait3A_209 = arith.constant 0 : i32
      %dma_wait3A_210 = arith.constant 0 : i32
      %dma_wait3A_211 = tpu.memref_slice %arg7[%dma_wait3A_209, %dma_wait3A_210] : memref<160x125xi32, #tpu.memory_space<vmem>> -> memref<1x125xi32, #tpu.memory_space<vmem>>
      %dma_wait3A_212 = tpu.memref_squeeze %dma_wait3A_211 : memref<1x125xi32, #tpu.memory_space<vmem>> -> memref<125xi32, #tpu.memory_space<vmem>>
      %dma_wait3A_213 = arith.constant 0 : i32
      %dma_wait3A_214 = arith.constant 0 : i32
      %dma_wait3A_215 = tpu.memref_slice %arg2[%dma_wait3A_213, %dma_wait3A_214] : memref<20480x64xf32, #tpu.memory_space<hbm>> -> memref<20480x64xf32, #tpu.memory_space<hbm>>
      tpu.wait_indirect_dma semaphore(%arg16 : memref<!tpu.dma_semaphore, #tpu.memory_space<semaphore_mem>>) src(%dma_wait3A_215 : memref<20480x64xf32, #tpu.memory_space<hbm>>) dst(%arg11 : memref<125x64xf32, #tpu.memory_space<vmem>>)
      %add3A_216 = arith.constant 2 : i32
      %add3A_217 = arith.addi %mul3A_119, %add3A_216 : i32
      %dma_start3A_218 = arith.constant 0 : i32
      %dma_start3A_219 = tpu.memref_slice %arg8[%add3A_217, %dma_start3A_218] : memref<160x125xi32, #tpu.memory_space<vmem>> -> memref<1x125xi32, #tpu.memory_space<vmem>>
      %dma_start3A_220 = tpu.memref_squeeze %dma_start3A_219 : memref<1x125xi32, #tpu.memory_space<vmem>> -> memref<125xi32, #tpu.memory_space<vmem>>
      %dma_start3A_221 = arith.constant 0 : i32
      %dma_start3A_222 = arith.constant 0 : i32
      %dma_start3A_223 = tpu.memref_slice %arg13[%dma_start3A_221, %dma_start3A_222] : memref<10240x64xf32, #tpu.memory_space<vmem_shared>> -> memref<10240x64xf32, #tpu.memory_space<vmem_shared>>
      tpu.enqueue_indirect_dma source(%arg11 : memref<125x64xf32, #tpu.memory_space<vmem>>) target(%dma_start3A_223 : memref<10240x64xf32, #tpu.memory_space<vmem_shared>>) offsets(%dma_start3A_220 : memref<125xi32, #tpu.memory_space<vmem>>) semaphore(%arg20 : memref<!tpu.dma_semaphore, #tpu.memory_space<semaphore_mem>>) {add = true}
      %dma_wait3A_224 = arith.constant 0 : i32
      %dma_wait3A_225 = arith.constant 0 : i32
      %dma_wait3A_226 = tpu.memref_slice %arg7[%dma_wait3A_224, %dma_wait3A_225] : memref<160x125xi32, #tpu.memory_space<vmem>> -> memref<1x125xi32, #tpu.memory_space<vmem>>
      %dma_wait3A_227 = tpu.memref_squeeze %dma_wait3A_226 : memref<1x125xi32, #tpu.memory_space<vmem>> -> memref<125xi32, #tpu.memory_space<vmem>>
      %dma_wait3A_228 = arith.constant 0 : i32
      %dma_wait3A_229 = arith.constant 0 : i32
      %dma_wait3A_230 = tpu.memref_slice %arg2[%dma_wait3A_228, %dma_wait3A_229] : memref<20480x64xf32, #tpu.memory_space<hbm>> -> memref<20480x64xf32, #tpu.memory_space<hbm>>
      tpu.wait_indirect_dma semaphore(%arg17 : memref<!tpu.dma_semaphore, #tpu.memory_space<semaphore_mem>>) src(%dma_wait3A_230 : memref<20480x64xf32, #tpu.memory_space<hbm>>) dst(%arg12 : memref<125x64xf32, #tpu.memory_space<vmem>>)
      %add3A_231 = arith.constant 3 : i32
      %add3A_232 = arith.addi %mul3A_119, %add3A_231 : i32
      %dma_start3A_233 = arith.constant 0 : i32
      %dma_start3A_234 = tpu.memref_slice %arg8[%add3A_232, %dma_start3A_233] : memref<160x125xi32, #tpu.memory_space<vmem>> -> memref<1x125xi32, #tpu.memory_space<vmem>>
      %dma_start3A_235 = tpu.memref_squeeze %dma_start3A_234 : memref<1x125xi32, #tpu.memory_space<vmem>> -> memref<125xi32, #tpu.memory_space<vmem>>
      %dma_start3A_236 = arith.constant 0 : i32
      %dma_start3A_237 = arith.constant 0 : i32
      %dma_start3A_238 = tpu.memref_slice %arg13[%dma_start3A_236, %dma_start3A_237] : memref<10240x64xf32, #tpu.memory_space<vmem_shared>> -> memref<10240x64xf32, #tpu.memory_space<vmem_shared>>
      tpu.enqueue_indirect_dma source(%arg12 : memref<125x64xf32, #tpu.memory_space<vmem>>) target(%dma_start3A_238 : memref<10240x64xf32, #tpu.memory_space<vmem_shared>>) offsets(%dma_start3A_235 : memref<125xi32, #tpu.memory_space<vmem>>) semaphore(%arg21 : memref<!tpu.dma_semaphore, #tpu.memory_space<semaphore_mem>>) {add = true}
    }
    %scan3A_87 = arith.constant 39 : i32
    %dma_wait3A_88 = arith.constant 0 : i32
    %dma_wait3A_89 = arith.constant 0 : i32
    %dma_wait3A_90 = tpu.memref_slice %arg7[%dma_wait3A_88, %dma_wait3A_89] : memref<160x125xi32, #tpu.memory_space<vmem>> -> memref<1x125xi32, #tpu.memory_space<vmem>>
    %dma_wait3A_91 = tpu.memref_squeeze %dma_wait3A_90 : memref<1x125xi32, #tpu.memory_space<vmem>> -> memref<125xi32, #tpu.memory_space<vmem>>
    %dma_wait3A_92 = arith.constant 0 : i32
    %dma_wait3A_93 = arith.constant 0 : i32
    %dma_wait3A_94 = tpu.memref_slice %arg2[%dma_wait3A_92, %dma_wait3A_93] : memref<20480x64xf32, #tpu.memory_space<hbm>> -> memref<20480x64xf32, #tpu.memory_space<hbm>>
    tpu.wait_indirect_dma semaphore(%arg18 : memref<!tpu.dma_semaphore, #tpu.memory_space<semaphore_mem>>) src(%dma_wait3A_94 : memref<20480x64xf32, #tpu.memory_space<hbm>>) dst(%arg9 : memref<125x64xf32, #tpu.memory_space<vmem>>)
    %dma_wait3A_95 = arith.constant 0 : i32
    %dma_wait3A_96 = arith.constant 0 : i32
    %dma_wait3A_97 = tpu.memref_slice %arg7[%dma_wait3A_95, %dma_wait3A_96] : memref<160x125xi32, #tpu.memory_space<vmem>> -> memref<1x125xi32, #tpu.memory_space<vmem>>
    %dma_wait3A_98 = tpu.memref_squeeze %dma_wait3A_97 : memref<1x125xi32, #tpu.memory_space<vmem>> -> memref<125xi32, #tpu.memory_space<vmem>>
    %dma_wait3A_99 = arith.constant 0 : i32
    %dma_wait3A_100 = arith.constant 0 : i32
    %dma_wait3A_101 = tpu.memref_slice %arg2[%dma_wait3A_99, %dma_wait3A_100] : memref<20480x64xf32, #tpu.memory_space<hbm>> -> memref<20480x64xf32, #tpu.memory_space<hbm>>
    tpu.wait_indirect_dma semaphore(%arg19 : memref<!tpu.dma_semaphore, #tpu.memory_space<semaphore_mem>>) src(%dma_wait3A_101 : memref<20480x64xf32, #tpu.memory_space<hbm>>) dst(%arg10 : memref<125x64xf32, #tpu.memory_space<vmem>>)
    %dma_wait3A_102 = arith.constant 0 : i32
    %dma_wait3A_103 = arith.constant 0 : i32
    %dma_wait3A_104 = tpu.memref_slice %arg7[%dma_wait3A_102, %dma_wait3A_103] : memref<160x125xi32, #tpu.memory_space<vmem>> -> memref<1x125xi32, #tpu.memory_space<vmem>>
    %dma_wait3A_105 = tpu.memref_squeeze %dma_wait3A_104 : memref<1x125xi32, #tpu.memory_space<vmem>> -> memref<125xi32, #tpu.memory_space<vmem>>
    %dma_wait3A_106 = arith.constant 0 : i32
    %dma_wait3A_107 = arith.constant 0 : i32
    %dma_wait3A_108 = tpu.memref_slice %arg2[%dma_wait3A_106, %dma_wait3A_107] : memref<20480x64xf32, #tpu.memory_space<hbm>> -> memref<20480x64xf32, #tpu.memory_space<hbm>>
    tpu.wait_indirect_dma semaphore(%arg20 : memref<!tpu.dma_semaphore, #tpu.memory_space<semaphore_mem>>) src(%dma_wait3A_108 : memref<20480x64xf32, #tpu.memory_space<hbm>>) dst(%arg11 : memref<125x64xf32, #tpu.memory_space<vmem>>)
    %dma_wait3A_109 = arith.constant 0 : i32
    %dma_wait3A_110 = arith.constant 0 : i32
    %dma_wait3A_111 = tpu.memref_slice %arg7[%dma_wait3A_109, %dma_wait3A_110] : memref<160x125xi32, #tpu.memory_space<vmem>> -> memref<1x125xi32, #tpu.memory_space<vmem>>
    %dma_wait3A_112 = tpu.memref_squeeze %dma_wait3A_111 : memref<1x125xi32, #tpu.memory_space<vmem>> -> memref<125xi32, #tpu.memory_space<vmem>>
    %dma_wait3A_113 = arith.constant 0 : i32
    %dma_wait3A_114 = arith.constant 0 : i32
    %dma_wait3A_115 = tpu.memref_slice %arg2[%dma_wait3A_113, %dma_wait3A_114] : memref<20480x64xf32, #tpu.memory_space<hbm>> -> memref<20480x64xf32, #tpu.memory_space<hbm>>
    tpu.wait_indirect_dma semaphore(%arg21 : memref<!tpu.dma_semaphore, #tpu.memory_space<semaphore_mem>>) src(%dma_wait3A_115 : memref<20480x64xf32, #tpu.memory_space<hbm>>) dst(%arg12 : memref<125x64xf32, #tpu.memory_space<vmem>>)
    %barrier3A_116 = arith.constant 0 : index
    tpu.barrier barrier_id(%barrier3A_116)
    "tpu.region"() ({
      %run_scoped3A = tpu.sem_alloc : memref<!tpu.dma_semaphore, #tpu.memory_space<semaphore_mem>>
      %dma_start3A_117 = arith.constant 0 : i32
      %dma_start3A_118 = tpu.memref_slice %arg6[%arg0, %mul3A_0, %dma_start3A_117] : memref<2x10240x64xf32, #tpu.memory_space<hbm>> -> memref<1x640x64xf32, #tpu.memory_space<hbm>>
      %dma_start3A_119 = tpu.memref_squeeze %dma_start3A_118 : memref<1x640x64xf32, #tpu.memory_space<hbm>> -> memref<640x64xf32, #tpu.memory_space<hbm>>
      %dma_start3A_120 = arith.constant 0 : i32
      %dma_start3A_121 = tpu.memref_slice %arg13[%mul3A_0, %dma_start3A_120] : memref<10240x64xf32, #tpu.memory_space<vmem_shared>> -> memref<640x64xf32, #tpu.memory_space<vmem_shared>>
      tpu.enqueue_dma source(%dma_start3A_121 : memref<640x64xf32, #tpu.memory_space<vmem_shared>>) target(%dma_start3A_119 : memref<640x64xf32, #tpu.memory_space<hbm>>) target_semaphore(%run_scoped3A : memref<!tpu.dma_semaphore, #tpu.memory_space<semaphore_mem>>)
      %dma_wait3A_122 = arith.constant 0 : i32
      %dma_wait3A_123 = tpu.memref_slice %arg6[%arg0, %mul3A_0, %dma_wait3A_122] : memref<2x10240x64xf32, #tpu.memory_space<hbm>> -> memref<1x640x64xf32, #tpu.memory_space<hbm>>
      %dma_wait3A_124 = tpu.memref_squeeze %dma_wait3A_123 : memref<1x640x64xf32, #tpu.memory_space<hbm>> -> memref<640x64xf32, #tpu.memory_space<hbm>>
      %dma_wait3A_125 = arith.constant 0 : i32
      %dma_wait3A_126 = tpu.memref_slice %arg13[%mul3A_0, %dma_wait3A_125] : memref<10240x64xf32, #tpu.memory_space<vmem_shared>> -> memref<640x64xf32, #tpu.memory_space<vmem_shared>>
      tpu.wait_dma2 semaphore(%run_scoped3A : memref<!tpu.dma_semaphore, #tpu.memory_space<semaphore_mem>>) src(%dma_wait3A_126 : memref<640x64xf32, #tpu.memory_space<vmem_shared>>) dst(%dma_wait3A_124 : memref<640x64xf32, #tpu.memory_space<hbm>>)
      tpu.yield
    }) : () -> ()
    return
  }
}

module attributes {stable_mosaic.version = 14 : i64} {
  func.func @body(%arg0: memref<128x128xf32, #tpu.memory_space<vmem>>, %arg1: memref<128x128xf32, #tpu.memory_space<vmem>>) attributes {dimension_semantics = [], scalar_prefetch = 0 : i64, scratch_operands = 0 : i64, tpu.core_type = #tpu.core_type<tc>} {
    %get3A = arith.constant 0 : index
    %get3A_0 = arith.constant 0 : index
    %get3A_1 = vector.load %arg0[%get3A, %get3A_0] : memref<128x128xf32, #tpu.memory_space<vmem>>, vector<128x128xf32>
    %dot_general3A = arith.constant dense<0.000000e+00> : vector<128x128xf32>
    %dot_general3A_2 = tpu.matmul %get3A_1, %get3A_1, %dot_general3A {dimension_numbers = #tpu.dot_dimension_numbers<[0], [0], [1], [1], [0, 1, 1, 1], [], []>, transpose_lhs_hint = false} : vector<128x128xf32>, vector<128x128xf32>, vector<128x128xf32> -> vector<128x128xf32>
    %mul3A = arith.mulf %dot_general3A_2, %dot_general3A_2 : vector<128x128xf32>
    %reduce_sum3A = vector.shape_cast %mul3A : vector<128x128xf32> to vector<1x128x128xf32>
    %reduce_sum3A_3 = arith.constant dense<0.000000e+00> : vector<1xf32>
    %reduce_sum3A_4 = vector.multi_reduction <add>, %reduce_sum3A, %reduce_sum3A_3 [1, 2] : vector<1x128x128xf32> to vector<1xf32>
    %reduce_sum3A_5 = vector.shape_cast %reduce_sum3A_4 : vector<1xf32> to vector<1x1x1xf32>
    %reduce_sum3A_6 = vector.extract %reduce_sum3A_5[0, 0, 0] : f32 from vector<1x1x1xf32>
    %sqrt3A = math.sqrt %reduce_sum3A_6 : f32
    %add3A = arith.constant 9.99999997E-7 : f32
    %add3A_7 = arith.addf %sqrt3A, %add3A : f32
    %div3A = arith.constant 8.000000e-01 : f32
    %div3A_8 = arith.divf %div3A, %add3A_7 : f32
    %mul3A_9 = vector.broadcast %div3A_8 : f32 to vector<128x128xf32>
    %mul3A_10 = arith.mulf %mul3A_9, %dot_general3A_2 : vector<128x128xf32>
    %swap3A = arith.constant 0 : index
    %swap3A_11 = arith.constant 0 : index
    %swap3A_12 = vector.load %arg1[%swap3A, %swap3A_11] : memref<128x128xf32, #tpu.memory_space<vmem>>, vector<128x128xf32>
    tpu.vector_store %arg1[%swap3A, %swap3A_11], %mul3A_10 {strides = array<i32>} : memref<128x128xf32, #tpu.memory_space<vmem>>, vector<128x128xf32>,
    return
  }
}

module attributes {stable_mosaic.version = 14 : i64} {
  func.func @body(%arg0: i32, %arg1: memref<2x1024x64xf32, #tpu.memory_space<vmem>>, %arg2: memref<1024x128xf32, #tpu.memory_space<vmem>>, %arg3: memref<1024x1xf32, #tpu.memory_space<vmem>>, %arg4: memref<1024x128xf32, #tpu.memory_space<vmem>>) attributes {dimension_semantics = [#tpu.dimension_semantics<arbitrary>], iteration_bounds = array<i64: 10>, scalar_prefetch = 0 : i64, scratch_operands = 0 : i64, tpu.core_type = #tpu.core_type<tc>, window_params = [{transform_indices = @transform_0, window_bounds = array<i64: 2, 1024, 64>}, {transform_indices = @transform_1, window_bounds = array<i64: 1024, 128>}, {transform_indices = @transform_2, window_bounds = array<i64: 1024, 1>}, {transform_indices = @transform_3, window_bounds = array<i64: 1024, 128>}]} {
    %get3A = arith.constant 0 : index
    %get3A_0 = arith.constant 0 : index
    %get3A_1 = arith.constant 0 : index
    %get3A_2 = vector.load %arg1[%get3A, %get3A_0, %get3A_1] : memref<2x1024x64xf32, #tpu.memory_space<vmem>>, vector<1x1024x64xf32>
    %get3A_3 = vector.shape_cast %get3A_2 : vector<1x1024x64xf32> to vector<1024x64xf32>
    %slice3A = vector.extract_strided_slice %get3A_3 {offsets = [0, 0], sizes = [1024, 1], strides = [1, 1]} : vector<1024x64xf32> to vector<1024x1xf32>
    %max3A = arith.constant 1.000000e+00 : f32
    %max3A_4 = vector.broadcast %max3A : f32 to vector<1024x1xf32>
    %max3A_5 = arith.maximumf %slice3A, %max3A_4 : vector<1024x1xf32>
    %rsqrt3A = math.rsqrt %max3A_5 : vector<1024x1xf32>
    %mul3A = arith.mulf %rsqrt3A, %rsqrt3A : vector<1024x1xf32>
    %swap3A = arith.constant 0 : index
    %swap3A_6 = arith.constant 0 : index
    %swap3A_7 = vector.load %arg3[%swap3A, %swap3A_6] : memref<1024x1xf32, #tpu.memory_space<vmem>>, vector<1024x1xf32>
    tpu.vector_store %arg3[%swap3A, %swap3A_6], %mul3A {strides = array<i32>} : memref<1024x1xf32, #tpu.memory_space<vmem>>, vector<1024x1xf32>,
    %get3A_8 = arith.constant 0 : index
    %get3A_9 = arith.constant 0 : index
    %get3A_10 = vector.load %arg2[%get3A_8, %get3A_9] : memref<1024x128xf32, #tpu.memory_space<vmem>>, vector<1024x128xf32>
    %mul3A_11 = vector.broadcast %rsqrt3A : vector<1024x1xf32> to vector<1024x128xf32>
    %mul3A_12 = arith.mulf %get3A_10, %mul3A_11 : vector<1024x128xf32>
    %swap3A_13 = arith.constant 0 : index
    %swap3A_14 = arith.constant 0 : index
    %swap3A_15 = vector.load %arg4[%swap3A_13, %swap3A_14] : memref<1024x128xf32, #tpu.memory_space<vmem>>, vector<1024x128xf32>
    tpu.vector_store %arg4[%swap3A_13, %swap3A_14], %mul3A_12 {strides = array<i32>} : memref<1024x128xf32, #tpu.memory_space<vmem>>, vector<1024x128xf32>,
    return
  }
  func.func @transform_0(%arg0: i32) -> (i32, i32, i32) {
    %c0_i32 = arith.constant 0 : i32
    %c0_i32_0 = arith.constant 0 : i32
    %c0_i32_1 = arith.constant 0 : i32
    return %c0_i32, %arg0, %c0_i32_0 : i32, i32, i32
  }
  func.func @transform_1(%arg0: i32) -> (i32, i32) {
    %c0_i32 = arith.constant 0 : i32
    %c0_i32_0 = arith.constant 0 : i32
    return %arg0, %c0_i32 : i32, i32
  }
  func.func @transform_2(%arg0: i32) -> (i32, i32) {
    %c0_i32 = arith.constant 0 : i32
    %c0_i32_0 = arith.constant 0 : i32
    return %arg0, %c0_i32 : i32, i32
  }
  func.func @transform_3(%arg0: i32) -> (i32, i32) {
    %c0_i32 = arith.constant 0 : i32
    %c0_i32_0 = arith.constant 0 : i32
    return %arg0, %c0_i32 : i32, i32
  }
}

module attributes {stable_mosaic.version = 14 : i64} {
  func.func @body(%arg0: i32, %arg1: memref<2x1024x64xf32, #tpu.memory_space<vmem>>, %arg2: memref<1024x1xf32, #tpu.memory_space<vmem>>, %arg3: memref<1024x128xf32, #tpu.memory_space<vmem>>, %arg4: memref<128x128xf32, #tpu.memory_space<vmem>>, %arg5: memref<1024x128xf32, #tpu.memory_space<vmem>>) attributes {dimension_semantics = [#tpu.dimension_semantics<arbitrary>], iteration_bounds = array<i64: 10>, scalar_prefetch = 0 : i64, scratch_operands = 0 : i64, tpu.core_type = #tpu.core_type<tc>, window_params = [{transform_indices = @transform_0, window_bounds = array<i64: 2, 1024, 64>}, {transform_indices = @transform_1, window_bounds = array<i64: 1024, 1>}, {transform_indices = @transform_2, window_bounds = array<i64: 1024, 128>}, {pipeline_mode = #tpu.pipeline_mode<synchronous>, transform_indices = @transform_3, window_bounds = array<i64: 128, 128>}, {transform_indices = @transform_4, window_bounds = array<i64: 1024, 128>}]} {
    %get3A = arith.constant 0 : index
    %get3A_0 = arith.constant 0 : index
    %get3A_1 = arith.constant 0 : index
    %get3A_2 = vector.load %arg1[%get3A, %get3A_0, %get3A_1] : memref<2x1024x64xf32, #tpu.memory_space<vmem>>, vector<1x1024x64xf32>
    %get3A_3 = vector.shape_cast %get3A_2 : vector<1x1024x64xf32> to vector<1024x64xf32>
    %get3A_4 = arith.constant 1 : index
    %get3A_5 = arith.constant 0 : index
    %get3A_6 = arith.constant 0 : index
    %get3A_7 = vector.load %arg1[%get3A_4, %get3A_5, %get3A_6] : memref<2x1024x64xf32, #tpu.memory_space<vmem>>, vector<1x1024x64xf32>
    %get3A_8 = vector.shape_cast %get3A_7 : vector<1x1024x64xf32> to vector<1024x64xf32>
    %concatenate3A = tpu.concatenate %get3A_3, %get3A_8 in 1 : vector<1024x64xf32>, vector<1024x64xf32> -> vector<1024x128xf32>
    %get3A_9 = arith.constant 0 : index
    %get3A_10 = arith.constant 0 : index
    %get3A_11 = vector.load %arg2[%get3A_9, %get3A_10] : memref<1024x1xf32, #tpu.memory_space<vmem>>, vector<1024x1xf32>
    %mul3A = vector.broadcast %get3A_11 : vector<1024x1xf32> to vector<1024x128xf32>
    %mul3A_12 = arith.mulf %concatenate3A, %mul3A : vector<1024x128xf32>
    %get3A_13 = arith.constant 0 : index
    %get3A_14 = arith.constant 0 : index
    %get3A_15 = vector.load %arg4[%get3A_13, %get3A_14] : memref<128x128xf32, #tpu.memory_space<vmem>>, vector<128x128xf32>
    %dot_general3A = arith.constant dense<0.000000e+00> : vector<1024x128xf32>
    %dot_general3A_16 = tpu.matmul %mul3A_12, %get3A_15, %dot_general3A {dimension_numbers = #tpu.dot_dimension_numbers<[1], [0], [0], [1], [0, 0, 1, 1], [], []>, transpose_lhs_hint = false} : vector<1024x128xf32>, vector<128x128xf32>, vector<1024x128xf32> -> vector<1024x128xf32>
    %get3A_17 = arith.constant 0 : index
    %get3A_18 = arith.constant 0 : index
    %get3A_19 = vector.load %arg3[%get3A_17, %get3A_18] : memref<1024x128xf32, #tpu.memory_space<vmem>>, vector<1024x128xf32>
    %add3A = arith.addf %dot_general3A_16, %get3A_19 : vector<1024x128xf32>
    %swap3A = arith.constant 0 : index
    %swap3A_20 = arith.constant 0 : index
    %swap3A_21 = vector.load %arg5[%swap3A, %swap3A_20] : memref<1024x128xf32, #tpu.memory_space<vmem>>, vector<1024x128xf32>
    tpu.vector_store %arg5[%swap3A, %swap3A_20], %add3A {strides = array<i32>} : memref<1024x128xf32, #tpu.memory_space<vmem>>, vector<1024x128xf32>,
    return
  }
  func.func @transform_0(%arg0: i32) -> (i32, i32, i32) {
    %c0_i32 = arith.constant 0 : i32
    %c0_i32_0 = arith.constant 0 : i32
    %c0_i32_1 = arith.constant 0 : i32
    return %c0_i32, %arg0, %c0_i32_0 : i32, i32, i32
  }
  func.func @transform_1(%arg0: i32) -> (i32, i32) {
    %c0_i32 = arith.constant 0 : i32
    %c0_i32_0 = arith.constant 0 : i32
    return %arg0, %c0_i32 : i32, i32
  }
  func.func @transform_2(%arg0: i32) -> (i32, i32) {
    %c0_i32 = arith.constant 0 : i32
    %c0_i32_0 = arith.constant 0 : i32
    return %arg0, %c0_i32 : i32, i32
  }
  func.func @transform_3(%arg0: i32) -> (i32, i32) {
    %c0_i32 = arith.constant 0 : i32
    %c0_i32_0 = arith.constant 0 : i32
    %c0_i32_1 = arith.constant 0 : i32
    return %c0_i32, %c0_i32_0 : i32, i32
  }
  func.func @transform_4(%arg0: i32) -> (i32, i32) {
    %c0_i32 = arith.constant 0 : i32
    %c0_i32_0 = arith.constant 0 : i32
    return %arg0, %c0_i32 : i32, i32
  }
}

module attributes {stable_mosaic.version = 14 : i64} {
  func.func @body(%arg0: i32, %arg1: memref<1024x128xf32, #tpu.memory_space<vmem>>, %arg2: memref<128x128xf32, #tpu.memory_space<vmem>>, %arg3: memref<1024x128xf32, #tpu.memory_space<vmem>>) attributes {dimension_semantics = [#tpu.dimension_semantics<arbitrary>], iteration_bounds = array<i64: 10>, scalar_prefetch = 0 : i64, scratch_operands = 0 : i64, tpu.core_type = #tpu.core_type<tc>, window_params = [{transform_indices = @transform_0, window_bounds = array<i64: 1024, 128>}, {pipeline_mode = #tpu.pipeline_mode<synchronous>, transform_indices = @transform_1, window_bounds = array<i64: 128, 128>}, {transform_indices = @transform_2, window_bounds = array<i64: 1024, 128>}]} {
    %get3A = arith.constant 0 : index
    %get3A_0 = arith.constant 0 : index
    %get3A_1 = vector.load %arg1[%get3A, %get3A_0] : memref<1024x128xf32, #tpu.memory_space<vmem>>, vector<1024x128xf32>
    %mul3A = arith.mulf %get3A_1, %get3A_1 : vector<1024x128xf32>
    %reduce_sum3A = arith.constant dense<0.000000e+00> : vector<1024xf32>
    %reduce_sum3A_2 = vector.multi_reduction <add>, %mul3A, %reduce_sum3A [1] : vector<1024x128xf32> to vector<1024xf32>
    %broadcast_in_dim3A = vector.shape_cast %reduce_sum3A_2 : vector<1024xf32> to vector<1024x1xf32>
    %sqrt3A = math.sqrt %broadcast_in_dim3A : vector<1024x1xf32>
    %max3A = arith.constant 9.99999996E-13 : f32
    %max3A_3 = vector.broadcast %max3A : f32 to vector<1024x1xf32>
    %max3A_4 = arith.maximumf %sqrt3A, %max3A_3 : vector<1024x1xf32>
    %div3A = vector.broadcast %max3A_4 : vector<1024x1xf32> to vector<1024x128xf32>
    %div3A_5 = arith.divf %get3A_1, %div3A : vector<1024x128xf32>
    %get3A_6 = arith.constant 0 : index
    %get3A_7 = arith.constant 0 : index
    %get3A_8 = vector.load %arg2[%get3A_6, %get3A_7] : memref<128x128xf32, #tpu.memory_space<vmem>>, vector<128x128xf32>
    %dot_general3A = arith.constant dense<0.000000e+00> : vector<1024x128xf32>
    %dot_general3A_9 = tpu.matmul %div3A_5, %get3A_8, %dot_general3A {dimension_numbers = #tpu.dot_dimension_numbers<[1], [0], [0], [1], [0, 0, 1, 1], [], []>, transpose_lhs_hint = false} : vector<1024x128xf32>, vector<128x128xf32>, vector<1024x128xf32> -> vector<1024x128xf32>
    %swap3A = arith.constant 0 : index
    %swap3A_10 = arith.constant 0 : index
    %swap3A_11 = vector.load %arg3[%swap3A, %swap3A_10] : memref<1024x128xf32, #tpu.memory_space<vmem>>, vector<1024x128xf32>
    tpu.vector_store %arg3[%swap3A, %swap3A_10], %dot_general3A_9 {strides = array<i32>} : memref<1024x128xf32, #tpu.memory_space<vmem>>, vector<1024x128xf32>,
    return
  }
  func.func @transform_0(%arg0: i32) -> (i32, i32) {
    %c0_i32 = arith.constant 0 : i32
    %c0_i32_0 = arith.constant 0 : i32
    return %arg0, %c0_i32 : i32, i32
  }
  func.func @transform_1(%arg0: i32) -> (i32, i32) {
    %c0_i32 = arith.constant 0 : i32
    %c0_i32_0 = arith.constant 0 : i32
    %c0_i32_1 = arith.constant 0 : i32
    return %c0_i32, %c0_i32_0 : i32, i32
  }
  func.func @transform_2(%arg0: i32) -> (i32, i32) {
    %c0_i32 = arith.constant 0 : i32
    %c0_i32_0 = arith.constant 0 : i32
    return %arg0, %c0_i32 : i32, i32
  }
}

</mosaic_0001>

<sc_bundles>
// kernel: _run.6.cloned.1.call-start
scs
__scs_entry_jumppad:
0x0: {  	(pc) =	sbr.rel $0x88, $3  }
0x1: {  	(tag) =	ssettag $0x0;
	lr =	simm.s32 $0x1  }
0x2: {  	[smem:$0x3F9D] =	sst lr;
	_ =	strace $0xD0000000  }
0x3: {  	_ = 	snop  }
0x4: {  	_ = 	snop  }
0x5: {  	_ = 	snop  }
0x6: {  	_ = 	snop  }
0x7: {  	_ = 	snop  }
__scs_overlays_trampoline_lowered:
0x8: {  	[smem:$0x3FAC] =	sst s0  }
0x9: {  	[smem:$0x3FAD] =	sst s1  }
0xa: {  	[smem:$0x3FAE] =	sst s2  }
0xb: {  	[smem:$0x3FAF] =	sst s3  }
0xc: {  	[smem:$0x3FB0] =	sst s4  }
0xd: {  	[smem:$0x3FB1] =	sst s5  }
0xe: {  	[smem:$0x3FB2] =	sst s6  }
0xf: {  	[smem:$0x3FB3] =	sst s7  }
0x10: {  	[smem:$0x3FB4] =	sst s8  }
0x11: {  	[smem:$0x3FB5] =	sst s9;
	s0 =	simm.s32 @!p0 $0x0  }
0x12: {  	s1 =	sld [smem:$0x3F9B];
	s0 =	simm.s32 @p0 $0x1  }
0x13: {  	[smem:$0x3FB6] =	sst s0;
	s0 =	simm.s32 @!p1 $0x0  }
0x14: {  	s2 =	sld [smem:$0x3F9A];
	s0 =	simm.s32 @p1 $0x1  }
0x15: {  	[smem:$0x3FB7] =	sst s0;
	s0 =	simm.s32 @!p2 $0x0  }
0x16: {  	s3 =	sld [smem:$0x3FDB];
	s0 =	simm.s32 @p2 $0x1  }
0x17: {  	s4 =	simm.s32 $0x1BF5;
	[smem:$0x3FB9] =	sst s0  }
0x18: {  	s0 =	sld [smem:$0x3F9C];
	_ =	swait.ge [sflag:s4], $0x0  }
0x19: {  	s7 =	sld [smem:$0x3F9D]  }
0x1a: {  	s8 =	sadd.s32 $0xFFFFE003, lr  }
0x1b: {  	s9 =	sadd.s32 $0xFFFFFEF7, lr;
	s5 =	simm.s32 $0xFFFFFFFF;
	p2 =	slt.u32 s8, $0xFFFFF086  }
0x1c: {  	p1 =	slt.u32 s9, $0xF7A;
	s5 =	simm.s32 @!p2 $0x0  }
0x1d: {  	s5 =	simm.s32 @p1 $0x1;
	p0 =	seq.s32 s7, s2  }
0x1e: {  	s7 =	smul.u32 @!p0 $0xF7A, s2;
	p2 =	seq.s32 @!p0 s5, $0x0  }
0x1f: {  	s9 =	smul.u32 $0xF7A, s1;
	s8 =	simm.s32 @!p0 $0x1BF5;
	p2 =	por !p2, p0  }
0x20: {  	[sflag:s8] =	ssyncset.s32 @!p0 $0xFFFFF086;
	s6 =	sadd.s32 @!p0 s3, s7;
	s7 =	simm.s32 @!p0 $0x108  }
0x21: {  	s3 =	sadd.s32 s3, s9;
	s6 =	sadd.s32 @!p0 $0x88, s6;
	s7 =	simm.s32 @p2 $0x1082  }
0x22: {  	[simem:s7], [sflag:s8] =	dma.local @!p0 [hbm:s6], $0xF7A  }
0x23: {  	s9 =	sor.u32 $0xD0000000, s2;
	s6 =	simm.s32 $0x108;
	_ =	swait.ge @!p0 [sflag:s8], $0x0  }
0x24: {  	s3 =	sadd.s32 $0x88, s3;
	s6 =	simm.s32 @!p1 $0x1082;
	[sflag:s4] =	ssyncset.s32 $0xFFFFF086  }
0x25: {  	[simem:s6], [sflag:s4] =	dma.local [hbm:s3], $0xF7A  }
0x26: {  	[smem:$0x3F9D] =	sst s1;
	(tag) =	ssettag s2;
	_ =	strace s9  }
0x27: {  	s1 =	sld [smem:$0x3FAD]  }
0x28: {  	s2 =	sld [smem:$0x3FAE]  }
0x29: {  	s4 =	sld [smem:$0x3FB0]  }
0x2a: {  	p0 =	seq.s32 s5, $0x0;
	s5 =	sld [smem:$0x3FB1]  }
0x2b: {  	s6 =	sld [smem:$0x3FB2]  }
0x2c: {  	s7 =	sld [smem:$0x3FB3]  }
0x2d: {  	s3 =	simm.s32 $0x108;
	s8 =	sld [smem:$0x3FB4]  }
0x2e: {  	s3 =	simm.s32 @!p0 $0x1082;
	s9 =	sld [smem:$0x3FB5]  }
0x2f: {  	lr =	sadd.s32 s0, s3;
	s0 =	sld [smem:$0x3FAC]  }
0x30: {  	s3 =	sld [smem:$0x3FAF]  }
0x31: {  	[smem:$0x3FB8] =	sst s10  }
0x32: {  	s10 =	sld [smem:$0x3FB6];
	_ =	sdelay $0x3  }
0x33: {  	p0 =	seq.s32 s10, $0x1;
	s10 =	sld [smem:$0x3FB8];
	_ =	sdelay $0x3  }
0x34: {  	[smem:$0x3FB8] =	sst s10  }
0x35: {  	s10 =	sld [smem:$0x3FB7];
	_ =	sdelay $0x3  }
0x36: {  	p1 =	seq.s32 s10, $0x1;
	s10 =	sld [smem:$0x3FB8];
	_ =	sdelay $0x3  }
0x37: {  	[smem:$0x3FB8] =	sst s10  }
0x38: {  	s10 =	sld [smem:$0x3FB9]  }
0x39: {  	_ = 	snop;
	(pc) =	sbr.ind lr, $3  }
0x3a: {  	_ = 	snop  }
0x3b: {  	_ = 	snop  }
0x3c: {  	p2 =	seq.s32 s10, $0x1;
	s10 =	sld [smem:$0x3FB8]  }
0x3d: {  	_ =	shalt  }
0x3e: {  	_ =	shalt  }
0x3f: {  	_ =	shalt  }
0x40: {  	_ =	shalt  }
0x41: {  	_ =	shalt  }
0x42: {  	_ =	shalt  }
0x43: {  	_ =	shalt  }
0x44: {  	_ =	shalt  }
0x45: {  	_ =	shalt  }
0x46: {  	_ =	shalt  }
0x47: {  	_ =	shalt  }
0x48: {  	_ =	shalt  }
0x49: {  	_ =	shalt  }
0x4a: {  	_ =	shalt  }
0x4b: {  	_ =	shalt  }
0x4c: {  	_ =	shalt  }
0x4d: {  	_ =	shalt  }
0x4e: {  	_ =	shalt  }
0x4f: {  	_ =	shalt  }
0x50: {  	_ =	shalt  }
0x51: {  	_ =	shalt  }
0x52: {  	_ =	shalt  }
0x53: {  	_ =	shalt  }
0x54: {  	_ =	shalt  }
0x55: {  	_ =	shalt  }
0x56: {  	_ =	shalt  }
0x57: {  	_ =	shalt  }
0x58: {  	_ =	shalt  }
0x59: {  	_ =	shalt  }
0x5a: {  	_ =	shalt  }
0x5b: {  	_ =	shalt  }
0x5c: {  	_ =	shalt  }
0x5d: {  	_ =	shalt  }
0x5e: {  	_ =	shalt  }
0x5f: {  	_ =	shalt  }
0x60: {  	_ =	shalt  }
0x61: {  	_ =	shalt  }
0x62: {  	_ =	shalt  }
0x63: {  	_ =	shalt  }
0x64: {  	_ =	shalt  }
0x65: {  	_ =	shalt  }
0x66: {  	_ =	shalt  }
0x67: {  	_ =	shalt  }
0x68: {  	_ =	shalt  }
0x69: {  	_ =	shalt  }
0x6a: {  	_ =	shalt  }
0x6b: {  	_ =	shalt  }
0x6c: {  	_ =	shalt  }
0x6d: {  	_ =	shalt  }
0x6e: {  	_ =	shalt  }
0x6f: {  	_ =	shalt  }
0x70: {  	_ =	shalt  }
0x71: {  	_ =	shalt  }
0x72: {  	_ =	shalt  }
0x73: {  	_ =	shalt  }
0x74: {  	_ =	shalt  }
0x75: {  	_ =	shalt  }
0x76: {  	_ =	shalt  }
0x77: {  	_ =	shalt  }
0x78: {  	_ =	shalt  }
0x79: {  	_ =	shalt  }
0x7a: {  	_ =	shalt  }
0x7b: {  	_ =	shalt  }
0x7c: {  	_ =	shalt  }
0x7d: {  	_ =	shalt  }
0x7e: {  	_ =	shalt  }
0x7f: {  	_ =	shalt  }
0x80: {  	_ =	shalt  }
0x81: {  	_ =	shalt  }
0x82: {  	_ =	shalt  }
0x83: {  	_ =	shalt  }
0x84: {  	_ =	shalt  }
0x85: {  	_ =	shalt  }
0x86: {  	_ =	shalt  }
0x87: {  	_ =	shalt  }
.Lfunc_end0:
.L_simem_size_0:
called_computation.1_lowered:
.L_overlay_start_0:
0x88: {  	s2 =	sld [smem:$0x3FD9]  }
0x89: {  	s3 =	sld [smem:$0x3FFE];
	_ =	sdelay $0x1  }
0x8a: {  	s1 =	srdreg.scid  }
0x8b: {  	s0 =	sand.u32 $0x1, s1  }
0x8c: {  	s17 =	sshll.u32 s0, $0xA;
	s2 =	sadd.s32 s3, s2  }
0x8d: {  	s2 =	sadd.s32 s2, s17  }
0x8e: {  	[smem:$0x3FC4] =	sst s2  }
0x8f: {  	_ = 	snop  }
0x90: {  	s2 =	sld [smem:$0x3FD0];
	(tm) =	ssettm $0x1  }
0x91: {  	s18 =	sld [smem:$0x3FFB];
	_ =	sdelay $0x3  }
0x92: {  	_ =	strace s18  }
0x93: {  	s3 =	sld [smem:$0x3FFC];
	_ =	sdelay $0x3  }
0x94: {  	_ =	strace s3  }
0x95: {  	s3 =	sld [smem:$0x3FFD];
	_ =	sdelay $0x3  }
0x96: {  	_ =	strace s3  }
0x97: {  	_ =	strace $0x8FFFFFFF  }
0x98: {  	s19 =	sld [smem:$0x3FDB];
	_ =	sdelay $0x1  }
0x99: {  	s4 =	simm.s32 $_scs_section_size  }
0x9a: {  	s5 =	simm.s32 $_size__tile_overlayer_lowered;
	s6 =	simm.s32 $_tile_overlayer_lowered  }
0x9b: {  	s22 =	simm.s32 $0x1BFF;
	s21 =	sshll.u32 s6, $0x1;
	s3 =	sadd.s32 s4, s19  }
0x9c: {  	s7 =	simm.s32 $0x0;
	s20 =	sshll.u32 s5, $0x1;
	s5 =	sadd.s32 s21, s3  }
0x9d: {  	[timem:s7], [sflag:s22] =	dma.local [hbm:s5], s20  }
0x9e: {  	_ =	swait.ge [sflag:s22], s20  }
0x9f: {  	s4 =	ssub.s32 $0x0, s20;
	[sflag:s22] =	ssyncset.done $0x0  }
0xa0: {  	[sflag:s22] =	ssyncadd.s32 s4;
	_ =	sdelay $0x1  }
0xa1: {  	s23 =	simm.s32 $0x1B8B  }
0xa2: {  	_ =	swait.ge [sflag:s23], $0x1  }
0xa3: {  	[sflag:s23] =	ssyncset.done $0x0  }
0xa4: {  	s25 =	simm.s32 $0x1B8E;
	s24 =	sld [smem:$0x3FFE];
	[sflag:s23] =	ssyncadd.s32 $0xFFFFFFFF  }
0xa5: {  	s26 =	simm.s32 $execute0_lowered;
	[smem:$0x3FD2] =	sst s25  }
0xa6: {  	s5 =	sshll.u32 s26, $0x1;
	_ =	strace $0x80000046;
	[dreg:$0x1] =	wrdreg $0xFFFFFFFF  }
0xa7: {  	s28 =	simm.s32 $_size_execute0_lowered;
	s3 =	sadd.s32 s3, s5;
	[dreg:$0x0] =	wrdreg $0x0  }
0xa8: {  	s5 =	sshll.u32 s28, $0x1;
	[dreg:$0x2] =	wrdreg s3  }
0xa9: {  	[dreg:$0x3] =	wrdreg s5  }
0xaa: {  	[dreg:$0x4] =	wrdreg $0xC0  }
0xab: {  	_ =	task [dreg:s7], $0x5FFFF  }
0xac: {  	[dreg:$0x1] =	wrdreg $0xFFFFFFFF  }
0xad: {  	[dreg:$0x0] =	wrdreg $0x60  }
0xae: {  	[dreg:$0x2] =	wrdreg s24  }
0xaf: {  	[dreg:$0x3] =	wrdreg s2  }
0xb0: {  	[dreg:$0x4] =	wrdreg $0xBF400  }
0xb1: {  	[dreg:$0x5] =	wrdreg $0x9  }
0xb2: {  	_ =	task.clear_ibuf [dreg:s7], $0x6FFFF;
	_ =	strace $0x90000046  }
0xb3: {  	s29 =	simm.s32 $0x9;
	_ =	strace $0x80000048  }
0xb4: {  	_ =	swait.ge [sflag:s29], $0x1  }
0xb5: {  	[sflag:s29] =	ssyncadd.s32 $0xFFFFFFFF  }
0xb6: {  	_ =	strace $0x90000048  }
0xb7: {  	_ =	sfence  }
0xb8: {  	s30 =	sld [smem:$0x0];
	_ =	sdelay $0x2  }
0xb9: {  	s31 =	sshll.u32 s1, $0xD;
	s1 =	sshrl.u32 s1, $0x2  }
0xba: {  	s3 =	sand.u32 $0x4000, s31;
	s1 =	sadd.s32 s1, s30  }
0xbb: {  	s0 =	sor.u32 s3, s0;
	s1 =	sshll.u32 s1, $0x11  }
0xbc: {  	s0 =	sor.u32 s1, s0  }
0xbd: {  	s0 =	sadd.s32 $0x8F2B, s0  }
0xbe: {  	[sflag:s0] =	ssyncadd.remote.s32 $0x1  }
0xbf: {  	_ =	sfence.sel $0xFFFF  }
0xc0: {  	[dreg:$0x0] =	wrdreg $0xFFFFFFFF;
	(pc) =	sbr.abs _section_cstart, $3  }
0xc1: {  	[dreg:$0x1] =	wrdreg $0xFFFFFFFF  }
0xc2: {  	_ =	task.clear_ibuf [dreg:s7], $0x2FFFF;
	_ =	strace $0x9FFFFFFF  }
0xc3: {  	(tm) =	ssettm $0x7FFFFFFF  }
tec
execute0_lowered:
.L_overlay_start_1:
0x0: {  	(tag) =	ssettag $0x1  }
0x1: {  	s6 =	rddreg [dreg:$0x0]  }
0x2: {  	s2 =	rddreg [dreg:$0x1]  }
0x3: {  	s3 =	rddreg [dreg:$0x2]  }
0x4: {  	s0 =	rddreg [dreg:$0x3]  }
0x5: {  	s1 =	stileid.u32;
	s5 =	srdreg.scid;
	s4 =	simm.s32 $0x0  }
0x6: {  	s14 =	simm.s32 $0xA000;
	s15 =	simm.s32 $0x7D;
	s16 =	simm.s32 $0x0  }
0x7: {  	s7 =	sand.u32 $0x1, s5;
	s8 =	smul.u32 $0xA000, s1;
	[smem:$0x7FF] =	sst s4  }
0x8: {  	s10 =	smul.u32 $0xA00, s1;
	s5 =	sadd.s32 $0x14E00, s6;
	s12 =	sshll.u32 s1, $0x6  }
0x9: {  	s9 =	smul.u32 $0xA0000, s7;
	_ =	strace $0x80000047;
	s7 =	ssub.s32 $0x2, s7  }
0xa: {  	s12 =	sor.u32 $0x1C01, s12;
	s10 =	sadd.s32 s10, s6;
	s11 =	sshrl.u32 s7, $0x1  }
0xb: {  	s13 =	sadd.s32 s8, s3;
	s9 =	sadd.s32 s8, s9;
	s11 =	ssub.s32 s7, s11  }
0xc: {  	s7 =	sadd.s32 $0xE00, s10;
	s13 =	sshrl.u32 s13, $0x3;
	s9 =	sshrl.u32 s9, $0x3  }
0xd: {  	s9 =	sadd.s32 s9, s6;
	s6 =	sadd.s32 $0xAE00, s10;
	s10 =	simm.s32 $0x1  }
0xe: {  	s8 =	sadd.s32 $0x15200, s9;
	s9 =	smax.u32 s11, $0x1;
	s11 =	simm.s32 $0x5000  }
.LBB2_1:
0xf: {  	[tilespmem:s4], [sflag:$0x1] =	stream.linear.gather [hbm4b:s6+s4], $0x5000, $0x38;
	[tilespmem:$0x15F40] =	vst v63  }
0x10: {  	_ =	swait.ge [sflag:s10], $0x5000  }
0x11: {  	[sflag:s10] =	ssyncset.done $0x0  }
0x12: {  	[sflag:s10] =	ssyncadd.s32 $0xFFFFB000  }
0x13: {  	[tilespmem:s11], [sflag:$0x1] =	stream.linear.gather [hbm4b:s7+s4], $0x5000, $0x38;
	[tilespmem:$0x15F40] =	vst v63  }
0x14: {  	_ =	swait.ge [sflag:s10], $0x5000  }
0x15: {  	[sflag:s10] =	ssyncset.done $0x0  }
0x16: {  	[sflag:s10] =	ssyncadd.s32 $0xFFFFB000  }
0x17: {  	[spmem:s13], [sflag:s12] =	dma.local [hbm:s2], $0x1400  }
0x18: {  	_ =	swait.ge [sflag:s10], $0x1400  }
0x19: {  	[sflag:s10] =	ssyncset.done $0x0  }
0x1a: {  	[sflag:s10] =	ssyncadd.s32 $0xFFFFEC00  }
0x1b: {  	[tilespmem:s14], [sflag:$0x1] =	stream.linear.gather [hbm4b:s5+s4], $0x1F40, $0x38;
	[tilespmem:$0x15F40] =	vst v63  }
0x1c: {  	_ =	swait.ge [sflag:s10], $0x1F40  }
0x1d: {  	[sflag:s10] =	ssyncset.done $0x0  }
0x1e: {  	[sflag:s10] =	ssyncadd.s32 $0xFFFFE0C0  }
0x1f: {  	s17 =	simm.s32 $0x0;
	[bflag:$0x0] =	sbarrier.arrive $0xFFFF  }
0x20: {  	[spmem:s3] =	stream.indirect.scatter.add.f32 [tilespmem:s14], [sflag:$0x1], $0x40, s17, s15, $0xb8;
	[tilespmem:$0x15F40] =	vst v63  }
0x21: {  	_ =	swait.ge [sflag:s10], $0x1F40  }
0x22: {  	[sflag:s10] =	ssyncset.done $0x0  }
0x23: {  	s31 =	simm.s32 $0x5000;
	[sflag:s10] =	ssyncadd.s32 $0xFFFFE0C0  }
0x24: {  	[spmem:s3] =	stream.indirect.scatter.add.f32 [tilespmem:s14], [sflag:$0x1], $0x40, s31, s15, $0xb8;
	[tilespmem:$0x15F40] =	vst v63  }
0x25: {  	_ =	swait.ge [sflag:s10], $0x1F40  }
0x26: {  	s18 =	simm.s32 $0x400;
	s17 =	simm.s32 $0x200;
	[sflag:s10] =	ssyncset.done $0x0  }
.LBB2_2:
0x27: {  	s19 =	sshra.s32 s17, $0x2  }
0x28: {  	[sflag:s10] =	ssyncadd.s32 $0xFFFFE0C0;
	s17 =	smov.u32 s18;
	s20 =	sadd.s32 $0x200, s18  }
0x29: {  	[spmem:s3] =	stream.indirect.scatter.add.f32 [tilespmem:s14], [sflag:$0x1], $0x40, s19, s15, $0xb8;
	[tilespmem:$0x15F40] =	vst v63  }
0x2a: {  	p0 =	sne.s32 s18, $0x13E00;
	_ =	swait.ge [sflag:s10], $0x1F40  }
.Ltmp0:
0x2b: {  	[sflag:s10] =	ssyncset.done $0x0;
	(pc) =	sbr.rel @p0 .LBB2_2-.Ltmp0, $4  }
0x2c: {  	s18 =	sadd.s32 $0x5000, s19;
	[sflag:s10] =	ssyncadd.s32 $0xFFFFE0C0  }
0x2d: {  	[spmem:s3] =	stream.indirect.scatter.add.f32 [tilespmem:s14], [sflag:$0x1], $0x40, s18, s15, $0xb8;
	[tilespmem:$0x15F40] =	vst v63  }
0x2e: {  	_ =	swait.ge [sflag:s10], $0x1F40  }
0x2f: {  	s18 =	smov.u32 s20;
	[sflag:s10] =	ssyncset.done $0x0  }
0x30: {  	s17 =	sshra.s32 s17, $0x2;
	[sflag:s10] =	ssyncadd.s32 $0xFFFFE0C0  }
0x31: {  	[spmem:s3] =	stream.indirect.scatter.add.f32 [tilespmem:s14], [sflag:$0x1], $0x40, s17, s15, $0xb8;
	[tilespmem:$0x15F40] =	vst v63  }
0x32: {  	_ =	swait.ge [sflag:s10], $0x1F40  }
0x33: {  	[sflag:s10] =	ssyncset.done $0x0  }
0x34: {  	s17 =	sadd.s32 $0x5000, s17;
	[sflag:s10] =	ssyncadd.s32 $0xFFFFE0C0  }
0x35: {  	[spmem:s3] =	stream.indirect.scatter.add.f32 [tilespmem:s14], [sflag:$0x1], $0x40, s17, s15, $0xb8;
	[tilespmem:$0x15F40] =	vst v63  }
0x36: {  	_ =	swait.ge [sflag:s10], $0x1F40  }
0x37: {  	s16 =	sadd.s32 $0x1, s16;
	[sflag:s10] =	ssyncset.done $0x0  }
0x38: {  	p0 =	sne.s32 s16, s9;
	[sflag:s10] =	ssyncadd.s32 $0xFFFFE0C0  }
.Ltmp1:
0x39: {  	[bflag:$0x0] =	sbarrier.arrive $0xFFFF;
	(pc) =	sbr.rel @p0 .LBB2_1-.Ltmp1, $4  }
0x3a: {  	[hbm:s8], [sflag:s12] =	dma.local [spmem:s13], $0x1400  }
0x3b: {  	_ =	swait.ge [sflag:s10], $0x1400  }
0x3c: {  	[sflag:s10] =	ssyncset.done $0x0  }
0x3d: {  	[sflag:s10] =	ssyncadd.s32 $0xFFFFEC00  }
0x3e: {  	_ =	sfence.sel $0x180000  }
0x3f: {  	[bflag:$0x0] =	sbarrier.arrive $0xFFFF  }
0x40: {  	p0 =	sne.s32 s1, $0x0;
	_ =	strace $0x90000047  }
0x41: {  	s0 =	sadd.s32 @!p0 $0x100000, s0;
	[bflag:$0x2] =	sbarrier.arrive $0xFFFF  }
0x42: {  	[sflag:s0] =	ssyncadd.tile.s32 @!p0 $0x1;
	_ =	shalt  }
.Lfunc_end2:
_tile_overlayer_lowered:
.L_overlay_start_2:
0x43: {  	(tag) =	ssettag $0x2  }
0x44: {  	s0 =	rddreg [dreg:$0x0];
	s2 =	stileid.u32  }
0x45: {  	s1 =	rddreg [dreg:$0x1];
	p0 =	sne.s32 s2, $0x0  }
0x46: {  	s3 =	rddreg [dreg:$0x2];
	[bflag:$0x3] =	sbarrier.arrive $0xFFFF;
	s2 =	simm.s32 @!p0 $0x1C01  }
0x47: {  	[timem:s3], [sflag:s2] =	dma.local @!p0 [hbm:s0], s1  }
0x48: {  	s0 =	simm.s32 @!p0 $0x1  }
0x49: {  	_ =	swait.ge @!p0 [sflag:s0], s1  }
0x4a: {  	s1 =	ssub.s32 @!p0 $0x0, s1;
	[sflag:s0] =	ssyncset.done @!p0 $0x0  }
0x4b: {  	[sflag:s0] =	ssyncadd.s32 @!p0 s1  }
0x4c: {  	[bflag:$0x3] =	sbarrier.arrive $0xFFFF  }
0x4d: {  	_ =	shalt  }

// kernel: closed_call.9.cloned.1.call-start
scs
__scs_entry_jumppad:
0x0: {  	(pc) =	sbr.rel $0x88, $3  }
0x1: {  	(tag) =	ssettag $0x0;
	lr =	simm.s32 $0x1  }
0x2: {  	[smem:$0x3F9D] =	sst lr;
	_ =	strace $0xD0000000  }
0x3: {  	_ = 	snop  }
0x4: {  	_ = 	snop  }
0x5: {  	_ = 	snop  }
0x6: {  	_ = 	snop  }
0x7: {  	_ = 	snop  }
__scs_overlays_trampoline_lowered:
0x8: {  	[smem:$0x3FAC] =	sst s0  }
0x9: {  	[smem:$0x3FAD] =	sst s1  }
0xa: {  	[smem:$0x3FAE] =	sst s2  }
0xb: {  	[smem:$0x3FAF] =	sst s3  }
0xc: {  	[smem:$0x3FB0] =	sst s4  }
0xd: {  	[smem:$0x3FB1] =	sst s5  }
0xe: {  	[smem:$0x3FB2] =	sst s6  }
0xf: {  	[smem:$0x3FB3] =	sst s7  }
0x10: {  	[smem:$0x3FB4] =	sst s8  }
0x11: {  	[smem:$0x3FB5] =	sst s9;
	s0 =	simm.s32 @!p0 $0x0  }
0x12: {  	s1 =	sld [smem:$0x3F9B];
	s0 =	simm.s32 @p0 $0x1  }
0x13: {  	[smem:$0x3FB6] =	sst s0;
	s0 =	simm.s32 @!p1 $0x0  }
0x14: {  	s2 =	sld [smem:$0x3F9A];
	s0 =	simm.s32 @p1 $0x1  }
0x15: {  	[smem:$0x3FB7] =	sst s0;
	s0 =	simm.s32 @!p2 $0x0  }
0x16: {  	s3 =	sld [smem:$0x3FDB];
	s0 =	simm.s32 @p2 $0x1  }
0x17: {  	s4 =	simm.s32 $0x1BF5;
	[smem:$0x3FB9] =	sst s0  }
0x18: {  	s0 =	sld [smem:$0x3F9C];
	_ =	swait.ge [sflag:s4], $0x0  }
0x19: {  	s7 =	sld [smem:$0x3F9D]  }
0x1a: {  	s8 =	sadd.s32 $0xFFFFE003, lr  }
0x1b: {  	s9 =	sadd.s32 $0xFFFFFEF7, lr;
	s5 =	simm.s32 $0xFFFFFFFF;
	p2 =	slt.u32 s8, $0xFFFFF086  }
0x1c: {  	p1 =	slt.u32 s9, $0xF7A;
	s5 =	simm.s32 @!p2 $0x0  }
0x1d: {  	s5 =	simm.s32 @p1 $0x1;
	p0 =	seq.s32 s7, s2  }
0x1e: {  	s7 =	smul.u32 @!p0 $0xF7A, s2;
	p2 =	seq.s32 @!p0 s5, $0x0  }
0x1f: {  	s9 =	smul.u32 $0xF7A, s1;
	s8 =	simm.s32 @!p0 $0x1BF5;
	p2 =	por !p2, p0  }
0x20: {  	[sflag:s8] =	ssyncset.s32 @!p0 $0xFFFFF086;
	s6 =	sadd.s32 @!p0 s3, s7;
	s7 =	simm.s32 @!p0 $0x108  }
0x21: {  	s3 =	sadd.s32 s3, s9;
	s6 =	sadd.s32 @!p0 $0x88, s6;
	s7 =	simm.s32 @p2 $0x1082  }
0x22: {  	[simem:s7], [sflag:s8] =	dma.local @!p0 [hbm:s6], $0xF7A  }
0x23: {  	s9 =	sor.u32 $0xD0000000, s2;
	s6 =	simm.s32 $0x108;
	_ =	swait.ge @!p0 [sflag:s8], $0x0  }
0x24: {  	s3 =	sadd.s32 $0x88, s3;
	s6 =	simm.s32 @!p1 $0x1082;
	[sflag:s4] =	ssyncset.s32 $0xFFFFF086  }
0x25: {  	[simem:s6], [sflag:s4] =	dma.local [hbm:s3], $0xF7A  }
0x26: {  	[smem:$0x3F9D] =	sst s1;
	(tag) =	ssettag s2;
	_ =	strace s9  }
0x27: {  	s1 =	sld [smem:$0x3FAD]  }
0x28: {  	s2 =	sld [smem:$0x3FAE]  }
0x29: {  	s4 =	sld [smem:$0x3FB0]  }
0x2a: {  	p0 =	seq.s32 s5, $0x0;
	s5 =	sld [smem:$0x3FB1]  }
0x2b: {  	s6 =	sld [smem:$0x3FB2]  }
0x2c: {  	s7 =	sld [smem:$0x3FB3]  }
0x2d: {  	s3 =	simm.s32 $0x108;
	s8 =	sld [smem:$0x3FB4]  }
0x2e: {  	s3 =	simm.s32 @!p0 $0x1082;
	s9 =	sld [smem:$0x3FB5]  }
0x2f: {  	lr =	sadd.s32 s0, s3;
	s0 =	sld [smem:$0x3FAC]  }
0x30: {  	s3 =	sld [smem:$0x3FAF]  }
0x31: {  	[smem:$0x3FB8] =	sst s10  }
0x32: {  	s10 =	sld [smem:$0x3FB6];
	_ =	sdelay $0x3  }
0x33: {  	p0 =	seq.s32 s10, $0x1;
	s10 =	sld [smem:$0x3FB8];
	_ =	sdelay $0x3  }
0x34: {  	[smem:$0x3FB8] =	sst s10  }
0x35: {  	s10 =	sld [smem:$0x3FB7];
	_ =	sdelay $0x3  }
0x36: {  	p1 =	seq.s32 s10, $0x1;
	s10 =	sld [smem:$0x3FB8];
	_ =	sdelay $0x3  }
0x37: {  	[smem:$0x3FB8] =	sst s10  }
0x38: {  	s10 =	sld [smem:$0x3FB9]  }
0x39: {  	_ = 	snop;
	(pc) =	sbr.ind lr, $3  }
0x3a: {  	_ = 	snop  }
0x3b: {  	_ = 	snop  }
0x3c: {  	p2 =	seq.s32 s10, $0x1;
	s10 =	sld [smem:$0x3FB8]  }
0x3d: {  	_ =	shalt  }
0x3e: {  	_ =	shalt  }
0x3f: {  	_ =	shalt  }
0x40: {  	_ =	shalt  }
0x41: {  	_ =	shalt  }
0x42: {  	_ =	shalt  }
0x43: {  	_ =	shalt  }
0x44: {  	_ =	shalt  }
0x45: {  	_ =	shalt  }
0x46: {  	_ =	shalt  }
0x47: {  	_ =	shalt  }
0x48: {  	_ =	shalt  }
0x49: {  	_ =	shalt  }
0x4a: {  	_ =	shalt  }
0x4b: {  	_ =	shalt  }
0x4c: {  	_ =	shalt  }
0x4d: {  	_ =	shalt  }
0x4e: {  	_ =	shalt  }
0x4f: {  	_ =	shalt  }
0x50: {  	_ =	shalt  }
0x51: {  	_ =	shalt  }
0x52: {  	_ =	shalt  }
0x53: {  	_ =	shalt  }
0x54: {  	_ =	shalt  }
0x55: {  	_ =	shalt  }
0x56: {  	_ =	shalt  }
0x57: {  	_ =	shalt  }
0x58: {  	_ =	shalt  }
0x59: {  	_ =	shalt  }
0x5a: {  	_ =	shalt  }
0x5b: {  	_ =	shalt  }
0x5c: {  	_ =	shalt  }
0x5d: {  	_ =	shalt  }
0x5e: {  	_ =	shalt  }
0x5f: {  	_ =	shalt  }
0x60: {  	_ =	shalt  }
0x61: {  	_ =	shalt  }
0x62: {  	_ =	shalt  }
0x63: {  	_ =	shalt  }
0x64: {  	_ =	shalt  }
0x65: {  	_ =	shalt  }
0x66: {  	_ =	shalt  }
0x67: {  	_ =	shalt  }
0x68: {  	_ =	shalt  }
0x69: {  	_ =	shalt  }
0x6a: {  	_ =	shalt  }
0x6b: {  	_ =	shalt  }
0x6c: {  	_ =	shalt  }
0x6d: {  	_ =	shalt  }
0x6e: {  	_ =	shalt  }
0x6f: {  	_ =	shalt  }
0x70: {  	_ =	shalt  }
0x71: {  	_ =	shalt  }
0x72: {  	_ =	shalt  }
0x73: {  	_ =	shalt  }
0x74: {  	_ =	shalt  }
0x75: {  	_ =	shalt  }
0x76: {  	_ =	shalt  }
0x77: {  	_ =	shalt  }
0x78: {  	_ =	shalt  }
0x79: {  	_ =	shalt  }
0x7a: {  	_ =	shalt  }
0x7b: {  	_ =	shalt  }
0x7c: {  	_ =	shalt  }
0x7d: {  	_ =	shalt  }
0x7e: {  	_ =	shalt  }
0x7f: {  	_ =	shalt  }
0x80: {  	_ =	shalt  }
0x81: {  	_ =	shalt  }
0x82: {  	_ =	shalt  }
0x83: {  	_ =	shalt  }
0x84: {  	_ =	shalt  }
0x85: {  	_ =	shalt  }
0x86: {  	_ =	shalt  }
0x87: {  	_ =	shalt  }
.Lfunc_end0:
.L_simem_size_0:
called_computation_lowered:
.L_overlay_start_0:
0x88: {  	s2 =	sld [smem:$0x3FD9]  }
0x89: {  	s3 =	sld [smem:$0x3FFE];
	_ =	sdelay $0x1  }
0x8a: {  	s1 =	srdreg.scid  }
0x8b: {  	s0 =	sand.u32 $0x1, s1  }
0x8c: {  	s17 =	sshll.u32 s0, $0xA;
	s2 =	sadd.s32 s3, s2  }
0x8d: {  	s2 =	sadd.s32 s2, s17  }
0x8e: {  	[smem:$0x3FC4] =	sst s2  }
0x8f: {  	_ = 	snop  }
0x90: {  	s2 =	sld [smem:$0x3FD0];
	(tm) =	ssettm $0x1  }
0x91: {  	s18 =	sld [smem:$0x3FFB];
	_ =	sdelay $0x3  }
0x92: {  	_ =	strace s18  }
0x93: {  	s3 =	sld [smem:$0x3FFC];
	_ =	sdelay $0x3  }
0x94: {  	_ =	strace s3  }
0x95: {  	s3 =	sld [smem:$0x3FFD];
	_ =	sdelay $0x3  }
0x96: {  	_ =	strace s3  }
0x97: {  	_ =	strace $0x8FFFFFFF  }
0x98: {  	s19 =	sld [smem:$0x3FDB];
	_ =	sdelay $0x1  }
0x99: {  	s4 =	simm.s32 $_scs_section_size  }
0x9a: {  	s5 =	simm.s32 $_size__tile_overlayer_lowered;
	s6 =	simm.s32 $_tile_overlayer_lowered  }
0x9b: {  	s22 =	simm.s32 $0x1BFF;
	s21 =	sshll.u32 s6, $0x1;
	s3 =	sadd.s32 s4, s19  }
0x9c: {  	s7 =	simm.s32 $0x0;
	s20 =	sshll.u32 s5, $0x1;
	s5 =	sadd.s32 s21, s3  }
0x9d: {  	[timem:s7], [sflag:s22] =	dma.local [hbm:s5], s20  }
0x9e: {  	_ =	swait.ge [sflag:s22], s20  }
0x9f: {  	s4 =	ssub.s32 $0x0, s20;
	[sflag:s22] =	ssyncset.done $0x0  }
0xa0: {  	[sflag:s22] =	ssyncadd.s32 s4;
	_ =	sdelay $0x1  }
0xa1: {  	s23 =	simm.s32 $0x1B8B  }
0xa2: {  	_ =	swait.ge [sflag:s23], $0x1  }
0xa3: {  	[sflag:s23] =	ssyncset.done $0x0  }
0xa4: {  	s25 =	simm.s32 $0x1B8E;
	s24 =	sld [smem:$0x3FFE];
	[sflag:s23] =	ssyncadd.s32 $0xFFFFFFFF  }
0xa5: {  	s26 =	simm.s32 $execute0_lowered;
	[smem:$0x3FD2] =	sst s25  }
0xa6: {  	s5 =	sshll.u32 s26, $0x1;
	_ =	strace $0x80000049;
	[dreg:$0x1] =	wrdreg $0xFFFFFFFF  }
0xa7: {  	s28 =	simm.s32 $_size_execute0_lowered;
	s3 =	sadd.s32 s3, s5;
	[dreg:$0x0] =	wrdreg $0x0  }
0xa8: {  	s5 =	sshll.u32 s28, $0x1;
	[dreg:$0x2] =	wrdreg s3  }
0xa9: {  	[dreg:$0x3] =	wrdreg s5  }
0xaa: {  	[dreg:$0x4] =	wrdreg $0xC0  }
0xab: {  	_ =	task [dreg:s7], $0x5FFFF  }
0xac: {  	[dreg:$0x1] =	wrdreg $0xFFFFFFFF  }
0xad: {  	[dreg:$0x0] =	wrdreg $0x60  }
0xae: {  	[dreg:$0x2] =	wrdreg s24  }
0xaf: {  	[dreg:$0x3] =	wrdreg s2  }
0xb0: {  	[dreg:$0x4] =	wrdreg $0x11D000  }
0xb1: {  	[dreg:$0x5] =	wrdreg $0x9  }
0xb2: {  	_ =	task.clear_ibuf [dreg:s7], $0x6FFFF;
	_ =	strace $0x90000049  }
0xb3: {  	s29 =	simm.s32 $0x9;
	_ =	strace $0x8000004B  }
0xb4: {  	_ =	swait.ge [sflag:s29], $0x1  }
0xb5: {  	[sflag:s29] =	ssyncadd.s32 $0xFFFFFFFF  }
0xb6: {  	_ =	strace $0x9000004B  }
0xb7: {  	_ =	sfence  }
0xb8: {  	s30 =	sld [smem:$0x0];
	_ =	sdelay $0x2  }
0xb9: {  	s31 =	sshll.u32 s1, $0xD;
	s1 =	sshrl.u32 s1, $0x2  }
0xba: {  	s3 =	sand.u32 $0x4000, s31;
	s1 =	sadd.s32 s1, s30  }
0xbb: {  	s0 =	sor.u32 s3, s0;
	s1 =	sshll.u32 s1, $0x11  }
0xbc: {  	s0 =	sor.u32 s1, s0  }
0xbd: {  	s0 =	sadd.s32 $0x8F2B, s0  }
0xbe: {  	[sflag:s0] =	ssyncadd.remote.s32 $0x1  }
0xbf: {  	_ =	sfence.sel $0xFFFF  }
0xc0: {  	[dreg:$0x0] =	wrdreg $0xFFFFFFFF;
	(pc) =	sbr.abs _section_cstart, $3  }
0xc1: {  	[dreg:$0x1] =	wrdreg $0xFFFFFFFF  }
0xc2: {  	_ =	task.clear_ibuf [dreg:s7], $0x2FFFF;
	_ =	strace $0x9FFFFFFF  }
0xc3: {  	(tm) =	ssettm $0x7FFFFFFF  }
tec
execute0_lowered:
.L_overlay_start_1:
0x0: {  	(tag) =	ssettag $0x1  }
0x1: {  	s0 =	rddreg [dreg:$0x0]  }
0x2: {  	s1 =	srdreg.scid;
	s10 =	stileid.u32  }
0x3: {  	s3 =	rddreg [dreg:$0x2];
	s4 =	simm.s32 $0x0;
	s11 =	simm.s32 $0x5000  }
0x4: {  	s14 =	simm.s32 $0x7D;
	s15 =	simm.s32 $0xA000;
	s17 =	simm.s32 $0xBF40  }
0x5: {  	s19 =	simm.s32 $0xDE80;
	s21 =	simm.s32 $0xFDC0;
	s22 =	simm.s32 $0x1  }
0x6: {  	s23 =	simm.s32 $0x2;
	s24 =	simm.s32 $0x5080;
	s28 =	simm.s32 $0x4  }
0x7: {  	s29 =	simm.s32 $0x5180;
	s30 =	simm.s32 $0x5;
	s2 =	smul.u32 $0x5000, s10  }
0x8: {  	s31 =	simm.s32 $0x6;
	s1 =	sand.u32 $0x1, s1;
	s8 =	smul.u32 $0xA000, s10  }
0x9: {  	[smem:$0x7FF] =	sst s4;
	s26 =	sshll.u32 s10, $0x6;
	s5 =	smul.u32 $0x50000, s1  }
0xa: {  	s10 =	simm.s32 $0x9;
	s7 =	smul.u32 $0xA0000, s1;
	_ =	strace $0x8000004A  }
0xb: {  	s1 =	ssub.s32 $0x2, s1;
	s12 =	sor.u32 $0x1C09, s26;
	s26 =	simm.s32 $0x5100  }
0xc: {  	s9 =	sshrl.u32 s1, $0x1;
	s25 =	sadd.s32 s8, s3;
	s6 =	sadd.s32 s2, s5  }
0xd: {  	s5 =	sadd.s32 $0xE00, s0;
	s7 =	sadd.s32 s8, s7;
	s2 =	sshrl.u32 s2, $0x3  }
0xe: {  	s1 =	ssub.s32 s1, s9;
	s13 =	sshrl.u32 s25, $0x3;
	s25 =	simm.s32 $0x3  }
0xf: {  	s6 =	sshrl.u32 s6, $0x3;
	s7 =	sshrl.u32 s7, $0x3;
	s2 =	sadd.s32 s2, s0  }
0x10: {  	s9 =	smax.u32 s1, $0x1;
	s1 =	simm.s32 $0x7;
	s6 =	sadd.s32 s6, s0  }
0x11: {  	s0 =	sadd.s32 s7, s0;
	s7 =	sadd.s32 $0x3DC00, s2;
	s2 =	simm.s32 $0x0  }
0x12: {  	s6 =	sadd.s32 $0x28E00, s6;
	s8 =	sadd.s32 $0x47C00, s0;
	s0 =	simm.s32 $0x8  }
.LBB2_1:
0x13: {  	[tilespmem:s4], [sflag:$0x9] =	stream.linear.gather [hbm4b:s6+s4], $0x5000, $0x38;
	[tilespmem:$0x1BD00] =	vst v63  }
0x14: {  	_ =	swait.ge [sflag:s10], $0x5000  }
0x15: {  	[sflag:s10] =	ssyncset.done $0x0  }
0x16: {  	[sflag:s10] =	ssyncadd.s32 $0xFFFFB000  }
0x17: {  	[tilespmem:s11], [sflag:$0x9] =	stream.linear.gather [hbm4b:s7+s4], $0x5000, $0x38;
	[tilespmem:$0x1BD00] =	vst v63  }
0x18: {  	_ =	swait.ge [sflag:s10], $0x5000  }
0x19: {  	[sflag:s10] =	ssyncset.done $0x0  }
0x1a: {  	[sflag:s10] =	ssyncadd.s32 $0xFFFFB000  }
0x1b: {  	s16 =	rddreg [dreg:$0x1]  }
0x1c: {  	[spmem:s13], [sflag:s12] =	dma.local [hbm:s16], $0x1400  }
0x1d: {  	_ =	swait.ge [sflag:s10], $0x1400  }
0x1e: {  	[sflag:s10] =	ssyncset.done $0x0  }
0x1f: {  	[sflag:s10] =	ssyncadd.s32 $0xFFFFEC00  }
0x20: {  	[bflag:$0x0] =	sbarrier.arrive $0xFFFF  }
0x21: {  	[tilespmem:s15], [sflag:$0x1] =	stream.indirect.gather [hbm4b:s5+s14], $0x40, s4, s14, $0xb8;
	[tilespmem:$0x1BD00] =	vst v63  }
0x22: {  	s18 =	simm.s32 $0x80  }
0x23: {  	[tilespmem:s17], [sflag:$0x2] =	stream.indirect.gather [hbm4b:s5+s14], $0x40, s18, s14, $0xb8;
	[tilespmem:$0x1BD00] =	vst v63  }
0x24: {  	s20 =	simm.s32 $0x100  }
0x25: {  	[tilespmem:s19], [sflag:$0x3] =	stream.indirect.gather [hbm4b:s5+s14], $0x40, s20, s14, $0xb8;
	[tilespmem:$0x1BD00] =	vst v63  }
0x26: {  	s18 =	simm.s32 $0x180  }
0x27: {  	[tilespmem:s21], [sflag:$0x4] =	stream.indirect.gather [hbm4b:s5+s14], $0x40, s18, s14, $0xb8;
	[tilespmem:$0x1BD00] =	vst v63  }
0x28: {  	_ =	swait.ge [sflag:s22], $0x1F40  }
0x29: {  	[sflag:s22] =	ssyncset.done $0x0  }
0x2a: {  	[sflag:s22] =	ssyncadd.s32 $0xFFFFE0C0  }
0x2b: {  	[spmem:s3] =	stream.indirect.scatter.add.f32 [tilespmem:s15], [sflag:$0x5], $0x40, s11, s14, $0xb8;
	[tilespmem:$0x1BD00] =	vst v63  }
0x2c: {  	_ =	swait.ge [sflag:s23], $0x1F40  }
0x2d: {  	[sflag:s23] =	ssyncset.done $0x0  }
0x2e: {  	[sflag:s23] =	ssyncadd.s32 $0xFFFFE0C0  }
0x2f: {  	[spmem:s3] =	stream.indirect.scatter.add.f32 [tilespmem:s17], [sflag:$0x6], $0x40, s24, s14, $0xb8;
	[tilespmem:$0x1BD00] =	vst v63  }
0x30: {  	_ =	swait.ge [sflag:s25], $0x1F40  }
0x31: {  	[sflag:s25] =	ssyncset.done $0x0  }
0x32: {  	[sflag:s25] =	ssyncadd.s32 $0xFFFFE0C0  }
0x33: {  	[spmem:s3] =	stream.indirect.scatter.add.f32 [tilespmem:s19], [sflag:$0x7], $0x40, s26, s14, $0xb8;
	[tilespmem:$0x1BD00] =	vst v63  }
0x34: {  	_ =	swait.ge [sflag:s28], $0x1F40  }
0x35: {  	[sflag:s28] =	ssyncset.done $0x0  }
0x36: {  	[sflag:s28] =	ssyncadd.s32 $0xFFFFE0C0  }
0x37: {  	[spmem:s3] =	stream.indirect.scatter.add.f32 [tilespmem:s21], [sflag:$0x8], $0x40, s29, s14, $0xb8;
	[tilespmem:$0x1BD00] =	vst v63  }
0x38: {  	_ =	swait.ge [sflag:s30], $0x1F40  }
0x39: {  	[sflag:s30] =	ssyncset.done $0x0  }
0x3a: {  	s20 =	simm.s32 $0x200;
	[sflag:s30] =	ssyncadd.s32 $0xFFFFE0C0  }
0x3b: {  	[tilespmem:s15], [sflag:$0x1] =	stream.indirect.gather [hbm4b:s5+s14], $0x40, s20, s14, $0xb8;
	[tilespmem:$0x1BD00] =	vst v63  }
0x3c: {  	_ =	swait.ge [sflag:s31], $0x1F40  }
0x3d: {  	[sflag:s31] =	ssyncset.done $0x0  }
0x3e: {  	s18 =	simm.s32 $0x280;
	[sflag:s31] =	ssyncadd.s32 $0xFFFFE0C0  }
0x3f: {  	[tilespmem:s17], [sflag:$0x2] =	stream.indirect.gather [hbm4b:s5+s14], $0x40, s18, s14, $0xb8;
	[tilespmem:$0x1BD00] =	vst v63  }
0x40: {  	_ =	swait.ge [sflag:s1], $0x1F40  }
0x41: {  	[sflag:s1] =	ssyncset.done $0x0  }
0x42: {  	s20 =	simm.s32 $0x300;
	[sflag:s1] =	ssyncadd.s32 $0xFFFFE0C0  }
0x43: {  	[tilespmem:s19], [sflag:$0x3] =	stream.indirect.gather [hbm4b:s5+s14], $0x40, s20, s14, $0xb8;
	[tilespmem:$0x1BD00] =	vst v63  }
0x44: {  	_ =	swait.ge [sflag:s0], $0x1F40  }
0x45: {  	[sflag:s0] =	ssyncset.done $0x0  }
0x46: {  	s18 =	simm.s32 $0x380;
	[sflag:s0] =	ssyncadd.s32 $0xFFFFE0C0  }
0x47: {  	[tilespmem:s21], [sflag:$0x4] =	stream.indirect.gather [hbm4b:s5+s14], $0x40, s18, s14, $0xb8;
	[tilespmem:$0x1BD00] =	vst v63  }
0x48: {  	_ =	swait.ge [sflag:s22], $0x1F40  }
0x49: {  	[sflag:s22] =	ssyncset.done $0x0  }
0x4a: {  	s20 =	simm.s32 $0x5200;
	[sflag:s22] =	ssyncadd.s32 $0xFFFFE0C0  }
0x4b: {  	[spmem:s3] =	stream.indirect.scatter.add.f32 [tilespmem:s15], [sflag:$0x5], $0x40, s20, s14, $0xb8;
	[tilespmem:$0x1BD00] =	vst v63  }
0x4c: {  	_ =	swait.ge [sflag:s23], $0x1F40  }
0x4d: {  	[sflag:s23] =	ssyncset.done $0x0  }
0x4e: {  	s18 =	simm.s32 $0x5280;
	[sflag:s23] =	ssyncadd.s32 $0xFFFFE0C0  }
0x4f: {  	[spmem:s3] =	stream.indirect.scatter.add.f32 [tilespmem:s17], [sflag:$0x6], $0x40, s18, s14, $0xb8;
	[tilespmem:$0x1BD00] =	vst v63  }
0x50: {  	_ =	swait.ge [sflag:s25], $0x1F40  }
0x51: {  	[sflag:s25] =	ssyncset.done $0x0  }
0x52: {  	s20 =	simm.s32 $0x5300;
	[sflag:s25] =	ssyncadd.s32 $0xFFFFE0C0  }
0x53: {  	[spmem:s3] =	stream.indirect.scatter.add.f32 [tilespmem:s19], [sflag:$0x7], $0x40, s20, s14, $0xb8;
	[tilespmem:$0x1BD00] =	vst v63  }
0x54: {  	_ =	swait.ge [sflag:s28], $0x1F40  }
0x55: {  	[sflag:s28] =	ssyncset.done $0x0  }
0x56: {  	s16 =	simm.s32 $0x800;
	s18 =	simm.s32 $0x5380;
	[sflag:s28] =	ssyncadd.s32 $0xFFFFE0C0  }
.LBB2_2:
0x57: {  	[spmem:s3] =	stream.indirect.scatter.add.f32 [tilespmem:s21], [sflag:$0x8], $0x40, s18, s14, $0xb8;
	[tilespmem:$0x1BD00] =	vst v63  }
0x58: {  	s18 =	smov.u32 s16  }
0x59: {  	p0 =	sne.s32 s16, $0x13000;
	s16 =	sadd.s32 $0x800, s16;
	_ =	swait.ge [sflag:s30], $0x1F40  }
0x5a: {  	s18 =	sshra.s32 s18, $0x2;
	[sflag:s30] =	ssyncset.done $0x0  }
0x5b: {  	s20 =	sadd.s32 $0x200, s18;
	[sflag:s30] =	ssyncadd.s32 $0xFFFFE0C0  }
0x5c: {  	[tilespmem:s15], [sflag:$0x1] =	stream.indirect.gather [hbm4b:s5+s14], $0x40, s20, s14, $0xb8;
	[tilespmem:$0x1BD00] =	vst v63  }
0x5d: {  	_ =	swait.ge [sflag:s31], $0x1F40  }
0x5e: {  	[sflag:s31] =	ssyncset.done $0x0  }
0x5f: {  	s20 =	sadd.s32 $0x280, s18;
	[sflag:s31] =	ssyncadd.s32 $0xFFFFE0C0  }
0x60: {  	[tilespmem:s17], [sflag:$0x2] =	stream.indirect.gather [hbm4b:s5+s14], $0x40, s20, s14, $0xb8;
	[tilespmem:$0x1BD00] =	vst v63  }
0x61: {  	_ =	swait.ge [sflag:s1], $0x1F40  }
0x62: {  	[sflag:s1] =	ssyncset.done $0x0  }
0x63: {  	s20 =	sadd.s32 $0x300, s18;
	[sflag:s1] =	ssyncadd.s32 $0xFFFFE0C0  }
0x64: {  	[tilespmem:s19], [sflag:$0x3] =	stream.indirect.gather [hbm4b:s5+s14], $0x40, s20, s14, $0xb8;
	[tilespmem:$0x1BD00] =	vst v63  }
0x65: {  	_ =	swait.ge [sflag:s0], $0x1F40  }
0x66: {  	[sflag:s0] =	ssyncset.done $0x0  }
0x67: {  	s20 =	sadd.s32 $0x380, s18;
	[sflag:s0] =	ssyncadd.s32 $0xFFFFE0C0  }
0x68: {  	[tilespmem:s21], [sflag:$0x4] =	stream.indirect.gather [hbm4b:s5+s14], $0x40, s20, s14, $0xb8;
	[tilespmem:$0x1BD00] =	vst v63  }
0x69: {  	_ =	swait.ge [sflag:s22], $0x1F40  }
0x6a: {  	[sflag:s22] =	ssyncset.done $0x0  }
0x6b: {  	s20 =	sadd.s32 $0x5200, s18;
	[sflag:s22] =	ssyncadd.s32 $0xFFFFE0C0  }
0x6c: {  	[spmem:s3] =	stream.indirect.scatter.add.f32 [tilespmem:s15], [sflag:$0x5], $0x40, s20, s14, $0xb8;
	[tilespmem:$0x1BD00] =	vst v63  }
0x6d: {  	_ =	swait.ge [sflag:s23], $0x1F40  }
0x6e: {  	[sflag:s23] =	ssyncset.done $0x0  }
0x6f: {  	s20 =	sadd.s32 $0x5280, s18;
	[sflag:s23] =	ssyncadd.s32 $0xFFFFE0C0  }
0x70: {  	[spmem:s3] =	stream.indirect.scatter.add.f32 [tilespmem:s17], [sflag:$0x6], $0x40, s20, s14, $0xb8;
	[tilespmem:$0x1BD00] =	vst v63  }
0x71: {  	_ =	swait.ge [sflag:s25], $0x1F40  }
0x72: {  	[sflag:s25] =	ssyncset.done $0x0  }
.Ltmp0:
0x73: {  	s20 =	sadd.s32 $0x5300, s18;
	[sflag:s25] =	ssyncadd.s32 $0xFFFFE0C0;
	(pc) =	sbr.rel @p0 .LBB2_2-.Ltmp0, $4  }
0x74: {  	[spmem:s3] =	stream.indirect.scatter.add.f32 [tilespmem:s19], [sflag:$0x7], $0x40, s20, s14, $0xb8;
	[tilespmem:$0x1BD00] =	vst v63  }
0x75: {  	_ =	swait.ge [sflag:s28], $0x1F40  }
0x76: {  	[sflag:s28] =	ssyncset.done $0x0  }
0x77: {  	s18 =	sadd.s32 $0x5380, s18;
	[sflag:s28] =	ssyncadd.s32 $0xFFFFE0C0  }
0x78: {  	[spmem:s3] =	stream.indirect.scatter.add.f32 [tilespmem:s21], [sflag:$0x8], $0x40, s18, s14, $0xb8;
	[tilespmem:$0x1BD00] =	vst v63  }
0x79: {  	_ =	swait.ge [sflag:s30], $0x1F40  }
0x7a: {  	[sflag:s30] =	ssyncset.done $0x0  }
0x7b: {  	[sflag:s30] =	ssyncadd.s32 $0xFFFFE0C0  }
0x7c: {  	_ =	swait.ge [sflag:s31], $0x1F40  }
0x7d: {  	[sflag:s31] =	ssyncset.done $0x0  }
0x7e: {  	[sflag:s31] =	ssyncadd.s32 $0xFFFFE0C0  }
0x7f: {  	_ =	swait.ge [sflag:s1], $0x1F40  }
0x80: {  	[sflag:s1] =	ssyncset.done $0x0  }
0x81: {  	[sflag:s1] =	ssyncadd.s32 $0xFFFFE0C0  }
0x82: {  	_ =	swait.ge [sflag:s0], $0x1F40  }
0x83: {  	s2 =	sadd.s32 $0x1, s2;
	[sflag:s0] =	ssyncset.done $0x0  }
0x84: {  	p0 =	sne.s32 s2, s9;
	[sflag:s0] =	ssyncadd.s32 $0xFFFFE0C0  }
.Ltmp1:
0x85: {  	[bflag:$0x0] =	sbarrier.arrive $0xFFFF;
	(pc) =	sbr.rel @p0 .LBB2_1-.Ltmp1, $4  }
0x86: {  	[hbm:s8], [sflag:s12] =	dma.local [spmem:s13], $0x1400  }
0x87: {  	_ =	swait.ge [sflag:s10], $0x1400  }
0x88: {  	[sflag:s10] =	ssyncset.done $0x0  }
0x89: {  	[sflag:s10] =	ssyncadd.s32 $0xFFFFEC00  }
0x8a: {  	_ =	sfence.sel $0x180000  }
0x8b: {  	[bflag:$0x0] =	sbarrier.arrive $0xFFFF  }
0x8c: {  	_ =	strace $0x9000004A  }
0x8d: {  	s0 =	stileid.u32;
	[bflag:$0x2] =	sbarrier.arrive $0xFFFF  }
0x8e: {  	p0 =	sne.s32 s0, $0x0;
	s0 =	rddreg [dreg:$0x3]  }
0x8f: {  	s0 =	sadd.s32 @!p0 $0x100000, s0  }
0x90: {  	[sflag:s0] =	ssyncadd.tile.s32 @!p0 $0x1;
	_ =	shalt  }
.Lfunc_end2:
_tile_overlayer_lowered:
.L_overlay_start_2:
0x91: {  	(tag) =	ssettag $0x2  }
0x92: {  	s0 =	rddreg [dreg:$0x0];
	s2 =	stileid.u32  }
0x93: {  	s1 =	rddreg [dreg:$0x1];
	p0 =	sne.s32 s2, $0x0  }
0x94: {  	s3 =	rddreg [dreg:$0x2];
	[bflag:$0x3] =	sbarrier.arrive $0xFFFF;
	s2 =	simm.s32 @!p0 $0x1C09  }
0x95: {  	[timem:s3], [sflag:s2] =	dma.local @!p0 [hbm:s0], s1  }
0x96: {  	s0 =	simm.s32 @!p0 $0x9  }
0x97: {  	_ =	swait.ge @!p0 [sflag:s0], s1  }
0x98: {  	s1 =	ssub.s32 @!p0 $0x0, s1;
	[sflag:s0] =	ssyncset.done @!p0 $0x0  }
0x99: {  	[sflag:s0] =	ssyncadd.s32 @!p0 s1  }
0x9a: {  	[bflag:$0x3] =	sbarrier.arrive $0xFFFF  }
0x9b: {  	_ =	shalt  }

</sc_bundles>
